<compile_context>
chip_gen: v7x
topology: tpu7x:2x2x1
jax: 0.10.2.dev20260603
libtpu: 0.0.44.dev20260713+nightly
codegen_flags: <defaults>
</compile_context>

<pallas_src>
import functools

import jax
import jax.numpy as jnp
from jax import lax
from jax.experimental import pallas as pl
from jax.experimental.pallas import tpu as pltpu
from jax.experimental.pallas import tpu_sc as plsc

B = 4
SEG = 1024
NW = 32
WPS = NW // B
CHUNK = SEG // WPS
QV = CHUNK // 16
TV = SEG // 16
_NEG = -3.0e38
_POS = 3.0e38


def _sc_pairwise(scores, labels):
  mesh = plsc.VectorSubcoreMesh(core_axis_name="c", subcore_axis_name="s")

  @functools.partial(
      pl.kernel,
      mesh=mesh,
      out_type=jax.ShapeDtypeStruct((NW, 32), jnp.float32),
      scratch_types=[
          pltpu.VMEM((SEG,), jnp.float32),
          pltpu.VMEM((SEG,), jnp.int32),
          pltpu.VMEM((SEG + 16,), jnp.float32),
          pltpu.VMEM((32,), jnp.float32),
          pltpu.SemaphoreType.DMA,
          pltpu.SemaphoreType.DMA,
      ],
  )
  def k(scores_hbm, labels_hbm, out_hbm, s_v, l_v, t_v, o_v, sem_s, sem_l):
    wid = lax.axis_index("c") * 16 + lax.axis_index("s")
    seg = wid // WPS
    sub = wid % WPS
    cp_s = pltpu.async_copy(scores_hbm.at[pl.ds(seg * SEG, SEG)], s_v, sem_s)
    cp_l = pltpu.async_copy(labels_hbm.at[pl.ds(seg * SEG, SEG)], l_v, sem_l)
    cp_s.wait()
    cp_l.wait()

    def prep(i, c):
      s = s_v[pl.ds(i * 16, 16)]
      l = l_v[pl.ds(i * 16, 16)]
      t_v[pl.ds(i * 16, 16)] = jnp.where(l == 0, s + 1.0, _NEG)
      return c

    lax.fori_loop(0, TV, prep, 0)
    t_v[pl.ds(SEG, 16)] = t_v[pl.ds(0, 16)]

    base = sub * CHUNK
    HALF = QV // 2

    def one_pass(h, carry):
      red, pos_cnt = carry
      off = base + h * (16 * HALF)
      ah = []
      for q in range(HALF):
        s = s_v[pl.ds(off + q * 16, 16)]
        l = l_v[pl.ds(off + q * 16, 16)]
        ah.append(jnp.where(l != 0, s, _POS))
        pos_cnt = pos_cnt + l.astype(jnp.float32)

      @plsc.parallel_loop(
          0, TV, unroll=4,
          carry=tuple(jnp.zeros((16,), jnp.float32) for _ in range(HALF)))
      def accs(ti, accs):
        accs = list(accs)
        for r in range(16):
          tr = t_v[pl.ds(ti * 16 + r, 16)]
          for q in range(HALF):
            accs[q] = accs[q] + jnp.maximum(tr - ah[q], 0.0)
        return tuple(accs)

      for q in range(HALF):
        red = red + accs[q]
      return red, pos_cnt

    red, pos_cnt = lax.fori_loop(
        0, 2, one_pass,
        (jnp.zeros((16,), jnp.float32), jnp.zeros((16,), jnp.float32)))
    o_v[pl.ds(0, 16)] = red
    o_v[pl.ds(16, 16)] = pos_cnt
    pltpu.sync_copy(o_v, out_hbm.at[wid])

  return k(scores, labels)


def kernel(scores, labels, num_nodes):
  del num_nodes
  parts = _sc_pairwise(scores, labels)
  total = jnp.sum(parts[:, :16])
  pos = jnp.sum(parts[:, 16:].reshape(B, WPS * 16), axis=1)
  npairs = jnp.sum(pos * (float(SEG) - pos))
  return jnp.where(npairs > 0, total / npairs, jnp.float32(0.0))

# --- scband reference (transcript-rebuilt; emitter-appended) ---
"""Pipeline reference for scband-pair-wise-loss-52501680226569 (READ-ONLY COPY).

The authoritative reference and input builder live on the scoring server;
editing this copy changes nothing except your own understanding.
"""

import jax, jax.numpy as jnp
import numpy as np

B = 4
TOTAL = 4096


def setup_inputs(seed: int = 0) -> dict:
    key = jax.random.key(seed)
    k1, k2 = jax.random.split(key)
    scores = jax.random.normal(k1, (TOTAL,), dtype=jnp.float32)
    labels = jax.random.randint(k2, (TOTAL,), 0, 2).astype(jnp.int32)
    # graph.batch_num_nodes('event') -> per-graph node counts, must sum to TOTAL
    num_nodes = jnp.full((B,), TOTAL // B, dtype=jnp.int32)
    return {"scores": scores, "labels": labels, "num_nodes": num_nodes}


def _pairwise_loss(scores, labels, num_nodes):
    n = scores.shape[0]
    # segment id per node, equivalent to the accum_node_size loop over batch_num_nodes
    seg = jnp.repeat(jnp.arange(num_nodes.shape[0]), num_nodes, total_repeat_length=n)
    pos = labels != 0          # torch.nonzero(ins_labels)
    neg = labels == 0          # torch.nonzero(1 - ins_labels)
    # valid pair: same graph instance, i positive, j negative
    mask = (seg[:, None] == seg[None, :]) & pos[:, None] & neg[None, :]
    diffs = scores[:, None] - scores[None, :]   # score_pos - score_neg
    hinge = jnp.maximum(1.0 - diffs, 0.0)       # torch.clamp(1 - pairs, 0)
    npairs = jnp.sum(mask)
    loss_pairs = jnp.sum(jnp.where(mask, hinge, 0.0)) / jnp.maximum(npairs, 1).astype(scores.dtype)
    loss_empty = jnp.mean(scores * 0.0)          # pairs is None branch
    return jnp.where(npairs > 0, loss_pairs, loss_empty)


def reference(scores, labels, num_nodes):
    return _pairwise_loss(scores, labels, num_nodes)

if __name__ == "__main__":
    import jax
    _d = setup_inputs()
    print(jax.jit(kernel)(*tuple(_d.values())))

</pallas_src>

<mosaic_0001>
#map = affine_map<(d0, d1) -> (0)>
#map1 = affine_map<(d0, d1) -> (0, 0)>
module attributes {stable_mosaic.version = 14 : i64} {
  func.func @k(%arg0: i32, %arg1: i32, %arg2: memref<4096xf32, #tpu.memory_space<hbm>>, %arg3: memref<4096xi32, #tpu.memory_space<hbm>>, %arg4: memref<32x32xf32, #tpu.memory_space<hbm>>, %arg5: memref<1024xf32, #tpu.memory_space<vmem>>, %arg6: memref<1024xi32, #tpu.memory_space<vmem>>, %arg7: memref<1040xf32, #tpu.memory_space<vmem>>, %arg8: memref<32xf32, #tpu.memory_space<vmem>>, %arg9: memref<!tpu.dma_semaphore, #tpu.memory_space<semaphore_mem>>, %arg10: memref<!tpu.dma_semaphore, #tpu.memory_space<semaphore_mem>>) attributes {dimension_semantics = [#tpu.dimension_semantics<core_parallel>, #tpu.dimension_semantics<subcore_parallel>], iteration_bounds = array<i64: 2, 16>, scalar_prefetch = 0 : i64, scratch_operands = 6 : i64, tpu.core_type = #tpu.core_type<sc_vector_subcore>, window_params = [{transform_indices = #map}, {transform_indices = #map}, {transform_indices = #map1}]} {
    %mul3A = arith.constant 16 : i32
    %mul3A_0 = arith.muli %arg0, %mul3A : i32
    %add3A = arith.addi %mul3A_0, %arg1 : i32
    %jit3A = arith.constant 8 : i32
    %div3A = arith.divsi %add3A, %jit3A : i32
    %sign3A = arith.constant 0 : i32
    %sign3A_1 = arith.cmpi sgt, %add3A, %sign3A : i32
    %sign3A_2 = arith.extui %sign3A_1 : i1 to i32
    %sign3A_3 = arith.constant 0 : i32
    %sign3A_4 = arith.cmpi slt, %add3A, %sign3A_3 : i32
    %sign3A_5 = arith.extui %sign3A_4 : i1 to i32
    %sign3A_6 = arith.subi %sign3A_2, %sign3A_5 : i32
    %sign3A_7 = arith.constant 0 : i32
    %sign3A_8 = arith.cmpi sgt, %jit3A, %sign3A_7 : i32
    %sign3A_9 = arith.extui %sign3A_8 : i1 to i32
    %sign3A_10 = arith.constant 0 : i32
    %sign3A_11 = arith.cmpi slt, %jit3A, %sign3A_10 : i32
    %sign3A_12 = arith.extui %sign3A_11 : i1 to i32
    %sign3A_13 = arith.subi %sign3A_9, %sign3A_12 : i32
    %ne3A = arith.cmpi ne, %sign3A_6, %sign3A_13 : i32
    %rem3A = arith.remsi %add3A, %jit3A : i32
    %ne3A_14 = arith.constant 0 : i32
    %ne3A_15 = arith.cmpi ne, %rem3A, %ne3A_14 : i32
    %and3A = arith.andi %ne3A, %ne3A_15 : i1
    %sub3A = arith.constant 1 : i32
    %sub3A_16 = arith.subi %div3A, %sub3A : i32
    %select_n3A = arith.select %and3A, %sub3A_16, %div3A : i32
    %jit3A_17 = arith.constant 8 : i32
    %eq3A = arith.constant 0 : i32
    %eq3A_18 = arith.cmpi eq, %jit3A_17, %eq3A : i32
    %jit3A_19 = arith.constant 1 : i32
    %select_n3A_20 = arith.select %eq3A_18, %jit3A_19, %jit3A_17 : i32
    %rem3A_21 = arith.remsi %add3A, %select_n3A_20 : i32
    %ne3A_22 = arith.constant 0 : i32
    %ne3A_23 = arith.cmpi ne, %rem3A_21, %ne3A_22 : i32
    %lt3A = arith.constant 0 : i32
    %lt3A_24 = arith.cmpi slt, %rem3A_21, %lt3A : i32
    %lt3A_25 = arith.constant 0 : i32
    %lt3A_26 = arith.cmpi slt, %select_n3A_20, %lt3A_25 : i32
    %ne3A_27 = arith.xori %lt3A_24, %lt3A_26 : i1
    %and3A_28 = arith.andi %ne3A_27, %ne3A_23 : i1
    %add3A_29 = arith.addi %rem3A_21, %select_n3A_20 : i32
    %select_n3A_30 = arith.select %and3A_28, %add3A_29, %rem3A_21 : i32
    %mul3A_31 = arith.constant 1024 : i32
    %mul3A_32 = arith.muli %select_n3A, %mul3A_31 : i32
    %dma_start3A = tpu.memref_slice %arg2[%mul3A_32] : memref<4096xf32, #tpu.memory_space<hbm>> -> memref<1024xf32, #tpu.memory_space<hbm>>
    %dma_start3A_33 = tpu.memref_slice %arg2[%mul3A_32] : memref<4096xf32, #tpu.memory_space<hbm>> -> memref<1024xf32, #tpu.memory_space<hbm>>
    tpu.enqueue_dma source(%dma_start3A_33 : memref<1024xf32, #tpu.memory_space<hbm>>) target(%arg5 : memref<1024xf32, #tpu.memory_space<vmem>>) target_semaphore(%arg9 : memref<!tpu.dma_semaphore, #tpu.memory_space<semaphore_mem>>)
    %mul3A_34 = arith.constant 1024 : i32
    %mul3A_35 = arith.muli %select_n3A, %mul3A_34 : i32
    %dma_start3A_36 = tpu.memref_slice %arg3[%mul3A_35] : memref<4096xi32, #tpu.memory_space<hbm>> -> memref<1024xi32, #tpu.memory_space<hbm>>
    %dma_start3A_37 = tpu.memref_slice %arg3[%mul3A_35] : memref<4096xi32, #tpu.memory_space<hbm>> -> memref<1024xi32, #tpu.memory_space<hbm>>
    tpu.enqueue_dma source(%dma_start3A_37 : memref<1024xi32, #tpu.memory_space<hbm>>) target(%arg6 : memref<1024xi32, #tpu.memory_space<vmem>>) target_semaphore(%arg10 : memref<!tpu.dma_semaphore, #tpu.memory_space<semaphore_mem>>)
    %dma_wait3A = tpu.memref_slice %arg2[%mul3A_32] : memref<4096xf32, #tpu.memory_space<hbm>> -> memref<1024xf32, #tpu.memory_space<hbm>>
    %dma_wait3A_38 = tpu.memref_slice %arg2[%mul3A_32] : memref<4096xf32, #tpu.memory_space<hbm>> -> memref<1024xf32, #tpu.memory_space<hbm>>
    tpu.wait_dma2 semaphore(%arg9 : memref<!tpu.dma_semaphore, #tpu.memory_space<semaphore_mem>>) src(%dma_wait3A_38 : memref<1024xf32, #tpu.memory_space<hbm>>) dst(%arg5 : memref<1024xf32, #tpu.memory_space<vmem>>)
    %dma_wait3A_39 = tpu.memref_slice %arg3[%mul3A_35] : memref<4096xi32, #tpu.memory_space<hbm>> -> memref<1024xi32, #tpu.memory_space<hbm>>
    %dma_wait3A_40 = tpu.memref_slice %arg3[%mul3A_35] : memref<4096xi32, #tpu.memory_space<hbm>> -> memref<1024xi32, #tpu.memory_space<hbm>>
    tpu.wait_dma2 semaphore(%arg10 : memref<!tpu.dma_semaphore, #tpu.memory_space<semaphore_mem>>) src(%dma_wait3A_40 : memref<1024xi32, #tpu.memory_space<hbm>>) dst(%arg6 : memref<1024xi32, #tpu.memory_space<vmem>>)
    %scan3A = arith.constant 0 : i32
    %scan3A_41 = arith.constant 0 : i32
    %scan3A_42 = arith.constant 64 : i32
    %scan3A_43 = arith.addi %scan3A_41, %scan3A_42 : i32
    %scan3A_44 = arith.constant 1 : i32
    scf.for %scan3A_70 = %scan3A_41 to %scan3A_43 step %scan3A_44  : i32 {
      %mul3A_71 = arith.constant 16 : i32
      %mul3A_72 = arith.muli %scan3A_70, %mul3A_71 : i32
      %get3A_73 = arith.index_cast %mul3A_72 : i32 to index
      %get3A_74 = tpu.vector_load %arg5[%get3A_73] {strides = array<i32>} : memref<1024xf32, #tpu.memory_space<vmem>>, vector<16xf32>,
      %get3A_75 = vector.shape_cast %get3A_74 : vector<16xf32> to vector<16xf32>
      %mul3A_76 = arith.constant 16 : i32
      %mul3A_77 = arith.muli %scan3A_70, %mul3A_76 : i32
      %get3A_78 = arith.index_cast %mul3A_77 : i32 to index
      %get3A_79 = tpu.vector_load %arg6[%get3A_78] {strides = array<i32>} : memref<1024xi32, #tpu.memory_space<vmem>>, vector<16xi32>,
      %get3A_80 = vector.shape_cast %get3A_79 : vector<16xi32> to vector<16xi32>
      %eq3A_81 = arith.constant 0 : i32
      %eq3A_82 = vector.broadcast %eq3A_81 : i32 to vector<16xi32>
      %eq3A_83 = arith.cmpi eq, %get3A_80, %eq3A_82 : vector<16xi32>
      %add3A_84 = arith.constant 1.000000e+00 : f32
      %add3A_85 = vector.broadcast %add3A_84 : f32 to vector<16xf32>
      %add3A_86 = arith.addf %get3A_75, %add3A_85 : vector<16xf32>
      %jit3A_87 = arith.constant -3.000000e+38 : f32
      %broadcast_in_dim3A_88 = vector.broadcast %jit3A_87 : f32 to vector<16xf32>
      %select_n3A_89 = arith.select %eq3A_83, %add3A_86, %broadcast_in_dim3A_88 : vector<16xi1>, vector<16xf32>
      %mul3A_90 = arith.constant 16 : i32
      %mul3A_91 = arith.muli %scan3A_70, %mul3A_90 : i32
      %swap3A_92 = arith.index_cast %mul3A_91 : i32 to index
      %swap3A_93 = tpu.vector_load %arg7[%swap3A_92] {strides = array<i32>} : memref<1040xf32, #tpu.memory_space<vmem>>, vector<16xf32>,
      %swap3A_94 = vector.shape_cast %swap3A_93 : vector<16xf32> to vector<16xf32>
      %swap3A_95 = vector.shape_cast %select_n3A_89 : vector<16xf32> to vector<16xf32>
      tpu.vector_store %arg7[%swap3A_92], %swap3A_95 {strides = array<i32>} : memref<1040xf32, #tpu.memory_space<vmem>>, vector<16xf32>,
    }
    %scan3A_45 = arith.constant 64 : i32
    %get3A = arith.constant 0 : index
    %get3A_46 = tpu.vector_load %arg7[%get3A] {strides = array<i32>} : memref<1040xf32, #tpu.memory_space<vmem>>, vector<16xf32>,
    %get3A_47 = vector.shape_cast %get3A_46 : vector<16xf32> to vector<16xf32>
    %swap3A = arith.constant 1024 : index
    %swap3A_48 = tpu.vector_load %arg7[%swap3A] {strides = array<i32>} : memref<1040xf32, #tpu.memory_space<vmem>>, vector<16xf32>,
    %swap3A_49 = vector.shape_cast %swap3A_48 : vector<16xf32> to vector<16xf32>
    %swap3A_50 = vector.shape_cast %get3A_47 : vector<16xf32> to vector<16xf32>
    tpu.vector_store %arg7[%swap3A], %swap3A_50 {strides = array<i32>} : memref<1040xf32, #tpu.memory_space<vmem>>, vector<16xf32>,
    %mul3A_51 = arith.constant 128 : i32
    %mul3A_52 = arith.muli %select_n3A_30, %mul3A_51 : i32
    %broadcast_in_dim3A = arith.constant 0.000000e+00 : f32
    %broadcast_in_dim3A_53 = vector.broadcast %broadcast_in_dim3A : f32 to vector<16xf32>
    %broadcast_in_dim3A_54 = arith.constant 0.000000e+00 : f32
    %broadcast_in_dim3A_55 = vector.broadcast %broadcast_in_dim3A_54 : f32 to vector<16xf32>
    %scan3A_56 = arith.constant 0 : i32
    %scan3A_57 = arith.constant 2 : i32
    %scan3A_58 = arith.addi %scan3A_56, %scan3A_57 : i32
    %scan3A_59 = arith.constant 1 : i32
    %scan3A_60:2 = scf.for %scan3A_70 = %scan3A_56 to %scan3A_58 step %scan3A_59 iter_args(%scan3A_71 = %broadcast_in_dim3A_53, %scan3A_72 = %broadcast_in_dim3A_55) -> (vector<16xf32>, vector<16xf32>)  : i32 {
      %mul3A_73 = arith.constant 64 : i32
      %mul3A_74 = arith.muli %scan3A_70, %mul3A_73 : i32
      %add3A_75 = arith.addi %mul3A_52, %mul3A_74 : i32
      %add3A_76 = arith.constant 0 : i32
      %add3A_77 = arith.addi %add3A_75, %add3A_76 : i32
      %get3A_78 = arith.index_cast %add3A_77 : i32 to index
      %get3A_79 = tpu.vector_load %arg5[%get3A_78] {strides = array<i32>} : memref<1024xf32, #tpu.memory_space<vmem>>, vector<16xf32>,
      %get3A_80 = vector.shape_cast %get3A_79 : vector<16xf32> to vector<16xf32>
      %add3A_81 = arith.constant 0 : i32
      %add3A_82 = arith.addi %add3A_75, %add3A_81 : i32
      %get3A_83 = arith.index_cast %add3A_82 : i32 to index
      %get3A_84 = tpu.vector_load %arg6[%get3A_83] {strides = array<i32>} : memref<1024xi32, #tpu.memory_space<vmem>>, vector<16xi32>,
      %get3A_85 = vector.shape_cast %get3A_84 : vector<16xi32> to vector<16xi32>
      %ne3A_86 = arith.constant 0 : i32
      %ne3A_87 = vector.broadcast %ne3A_86 : i32 to vector<16xi32>
      %ne3A_88 = arith.cmpi ne, %get3A_85, %ne3A_87 : vector<16xi32>
      %jit3A_89 = arith.constant 3.000000e+38 : f32
      %broadcast_in_dim3A_90 = vector.broadcast %jit3A_89 : f32 to vector<16xf32>
      %select_n3A_91 = arith.select %ne3A_88, %get3A_80, %broadcast_in_dim3A_90 : vector<16xi1>, vector<16xf32>
      %convert_element_type3A = arith.sitofp %get3A_85 : vector<16xi32> to vector<16xf32>
      %add3A_92 = arith.addf %scan3A_72, %convert_element_type3A : vector<16xf32>
      %add3A_93 = arith.constant 16 : i32
      %add3A_94 = arith.addi %add3A_75, %add3A_93 : i32
      %get3A_95 = arith.index_cast %add3A_94 : i32 to index
      %get3A_96 = tpu.vector_load %arg5[%get3A_95] {strides = array<i32>} : memref<1024xf32, #tpu.memory_space<vmem>>, vector<16xf32>,
      %get3A_97 = vector.shape_cast %get3A_96 : vector<16xf32> to vector<16xf32>
      %add3A_98 = arith.constant 16 : i32
      %add3A_99 = arith.addi %add3A_75, %add3A_98 : i32
      %get3A_100 = arith.index_cast %add3A_99 : i32 to index
      %get3A_101 = tpu.vector_load %arg6[%get3A_100] {strides = array<i32>} : memref<1024xi32, #tpu.memory_space<vmem>>, vector<16xi32>,
      %get3A_102 = vector.shape_cast %get3A_101 : vector<16xi32> to vector<16xi32>
      %ne3A_103 = arith.constant 0 : i32
      %ne3A_104 = vector.broadcast %ne3A_103 : i32 to vector<16xi32>
      %ne3A_105 = arith.cmpi ne, %get3A_102, %ne3A_104 : vector<16xi32>
      %jit3A_106 = arith.constant 3.000000e+38 : f32
      %broadcast_in_dim3A_107 = vector.broadcast %jit3A_106 : f32 to vector<16xf32>
      %select_n3A_108 = arith.select %ne3A_105, %get3A_97, %broadcast_in_dim3A_107 : vector<16xi1>, vector<16xf32>
      %convert_element_type3A_109 = arith.sitofp %get3A_102 : vector<16xi32> to vector<16xf32>
      %add3A_110 = arith.addf %add3A_92, %convert_element_type3A_109 : vector<16xf32>
      %add3A_111 = arith.constant 32 : i32
      %add3A_112 = arith.addi %add3A_75, %add3A_111 : i32
      %get3A_113 = arith.index_cast %add3A_112 : i32 to index
      %get3A_114 = tpu.vector_load %arg5[%get3A_113] {strides = array<i32>} : memref<1024xf32, #tpu.memory_space<vmem>>, vector<16xf32>,
      %get3A_115 = vector.shape_cast %get3A_114 : vector<16xf32> to vector<16xf32>
      %add3A_116 = arith.constant 32 : i32
      %add3A_117 = arith.addi %add3A_75, %add3A_116 : i32
      %get3A_118 = arith.index_cast %add3A_117 : i32 to index
      %get3A_119 = tpu.vector_load %arg6[%get3A_118] {strides = array<i32>} : memref<1024xi32, #tpu.memory_space<vmem>>, vector<16xi32>,
      %get3A_120 = vector.shape_cast %get3A_119 : vector<16xi32> to vector<16xi32>
      %ne3A_121 = arith.constant 0 : i32
      %ne3A_122 = vector.broadcast %ne3A_121 : i32 to vector<16xi32>
      %ne3A_123 = arith.cmpi ne, %get3A_120, %ne3A_122 : vector<16xi32>
      %jit3A_124 = arith.constant 3.000000e+38 : f32
      %broadcast_in_dim3A_125 = vector.broadcast %jit3A_124 : f32 to vector<16xf32>
      %select_n3A_126 = arith.select %ne3A_123, %get3A_115, %broadcast_in_dim3A_125 : vector<16xi1>, vector<16xf32>
      %convert_element_type3A_127 = arith.sitofp %get3A_120 : vector<16xi32> to vector<16xf32>
      %add3A_128 = arith.addf %add3A_110, %convert_element_type3A_127 : vector<16xf32>
      %add3A_129 = arith.constant 48 : i32
      %add3A_130 = arith.addi %add3A_75, %add3A_129 : i32
      %get3A_131 = arith.index_cast %add3A_130 : i32 to index
      %get3A_132 = tpu.vector_load %arg5[%get3A_131] {strides = array<i32>} : memref<1024xf32, #tpu.memory_space<vmem>>, vector<16xf32>,
      %get3A_133 = vector.shape_cast %get3A_132 : vector<16xf32> to vector<16xf32>
      %add3A_134 = arith.constant 48 : i32
      %add3A_135 = arith.addi %add3A_75, %add3A_134 : i32
      %get3A_136 = arith.index_cast %add3A_135 : i32 to index
      %get3A_137 = tpu.vector_load %arg6[%get3A_136] {strides = array<i32>} : memref<1024xi32, #tpu.memory_space<vmem>>, vector<16xi32>,
      %get3A_138 = vector.shape_cast %get3A_137 : vector<16xi32> to vector<16xi32>
      %ne3A_139 = arith.constant 0 : i32
      %ne3A_140 = vector.broadcast %ne3A_139 : i32 to vector<16xi32>
      %ne3A_141 = arith.cmpi ne, %get3A_138, %ne3A_140 : vector<16xi32>
      %jit3A_142 = arith.constant 3.000000e+38 : f32
      %broadcast_in_dim3A_143 = vector.broadcast %jit3A_142 : f32 to vector<16xf32>
      %select_n3A_144 = arith.select %ne3A_141, %get3A_133, %broadcast_in_dim3A_143 : vector<16xi1>, vector<16xf32>
      %convert_element_type3A_145 = arith.sitofp %get3A_138 : vector<16xi32> to vector<16xf32>
      %add3A_146 = arith.addf %add3A_128, %convert_element_type3A_145 : vector<16xf32>
      %broadcast_in_dim3A_147 = arith.constant 0.000000e+00 : f32
      %broadcast_in_dim3A_148 = vector.broadcast %broadcast_in_dim3A_147 : f32 to vector<16xf32>
      %broadcast_in_dim3A_149 = arith.constant 0.000000e+00 : f32
      %broadcast_in_dim3A_150 = vector.broadcast %broadcast_in_dim3A_149 : f32 to vector<16xf32>
      %broadcast_in_dim3A_151 = arith.constant 0.000000e+00 : f32
      %broadcast_in_dim3A_152 = vector.broadcast %broadcast_in_dim3A_151 : f32 to vector<16xf32>
      %broadcast_in_dim3A_153 = arith.constant 0.000000e+00 : f32
      %broadcast_in_dim3A_154 = vector.broadcast %broadcast_in_dim3A_153 : f32 to vector<16xf32>
      %parallel_loop3A = arith.constant 0 : i32
      %parallel_loop3A_155 = arith.constant 64 : i32
      %parallel_loop3A_156 = arith.constant 1 : i32
      %parallel_loop3A_157:4 = scf.for %parallel_loop3A_162 = %parallel_loop3A to %parallel_loop3A_155 step %parallel_loop3A_156 iter_args(%parallel_loop3A_163 = %broadcast_in_dim3A_148, %parallel_loop3A_164 = %broadcast_in_dim3A_150, %parallel_loop3A_165 = %broadcast_in_dim3A_152, %parallel_loop3A_166 = %broadcast_in_dim3A_154) -> (vector<16xf32>, vector<16xf32>, vector<16xf32>, vector<16xf32>)  : i32 {
        %parallel_loop3A_167 = arith.constant 16 : i32
        %parallel_loop3A_168 = arith.muli %parallel_loop3A_162, %parallel_loop3A_167 : i32
        %parallel_loop3A_169 = arith.constant 0 : i32
        %parallel_loop3A_170 = arith.addi %parallel_loop3A_168, %parallel_loop3A_169 : i32
        %parallel_loop3A_171 = arith.index_cast %parallel_loop3A_170 : i32 to index
        %parallel_loop3A_172 = tpu.vector_load %arg7[%parallel_loop3A_171] {strides = array<i32>} : memref<1040xf32, #tpu.memory_space<vmem>>, vector<16xf32>,
        %parallel_loop3A_173 = vector.shape_cast %parallel_loop3A_172 : vector<16xf32> to vector<16xf32>
        %parallel_loop3A_174 = arith.subf %parallel_loop3A_173, %select_n3A_91 : vector<16xf32>
        %parallel_loop3A_175 = arith.constant 0.000000e+00 : f32
        %parallel_loop3A_176 = vector.broadcast %parallel_loop3A_175 : f32 to vector<16xf32>
        %parallel_loop3A_177 = arith.maximumf %parallel_loop3A_174, %parallel_loop3A_176 : vector<16xf32>
        %parallel_loop3A_178 = arith.addf %parallel_loop3A_163, %parallel_loop3A_177 : vector<16xf32>
        %parallel_loop3A_179 = arith.subf %parallel_loop3A_173, %select_n3A_108 : vector<16xf32>
        %parallel_loop3A_180 = arith.constant 0.000000e+00 : f32
        %parallel_loop3A_181 = vector.broadcast %parallel_loop3A_180 : f32 to vector<16xf32>
        %parallel_loop3A_182 = arith.maximumf %parallel_loop3A_179, %parallel_loop3A_181 : vector<16xf32>
        %parallel_loop3A_183 = arith.addf %parallel_loop3A_164, %parallel_loop3A_182 : vector<16xf32>
        %parallel_loop3A_184 = arith.subf %parallel_loop3A_173, %select_n3A_126 : vector<16xf32>
        %parallel_loop3A_185 = arith.constant 0.000000e+00 : f32
        %parallel_loop3A_186 = vector.broadcast %parallel_loop3A_185 : f32 to vector<16xf32>
        %parallel_loop3A_187 = arith.maximumf %parallel_loop3A_184, %parallel_loop3A_186 : vector<16xf32>
        %parallel_loop3A_188 = arith.addf %parallel_loop3A_165, %parallel_loop3A_187 : vector<16xf32>
        %parallel_loop3A_189 = arith.subf %parallel_loop3A_173, %select_n3A_144 : vector<16xf32>
        %parallel_loop3A_190 = arith.constant 0.000000e+00 : f32
        %parallel_loop3A_191 = vector.broadcast %parallel_loop3A_190 : f32 to vector<16xf32>
        %parallel_loop3A_192 = arith.maximumf %parallel_loop3A_189, %parallel_loop3A_191 : vector<16xf32>
        %parallel_loop3A_193 = arith.addf %parallel_loop3A_166, %parallel_loop3A_192 : vector<16xf32>
        %parallel_loop3A_194 = arith.constant 16 : i32
        %parallel_loop3A_195 = arith.muli %parallel_loop3A_162, %parallel_loop3A_194 : i32
        %parallel_loop3A_196 = arith.constant 1 : i32
        %parallel_loop3A_197 = arith.addi %parallel_loop3A_195, %parallel_loop3A_196 : i32
        %parallel_loop3A_198 = arith.index_cast %parallel_loop3A_197 : i32 to index
        %parallel_loop3A_199 = tpu.vector_load %arg7[%parallel_loop3A_198] {strides = array<i32>} : memref<1040xf32, #tpu.memory_space<vmem>>, vector<16xf32>,
        %parallel_loop3A_200 = vector.shape_cast %parallel_loop3A_199 : vector<16xf32> to vector<16xf32>
        %parallel_loop3A_201 = arith.subf %parallel_loop3A_200, %select_n3A_91 : vector<16xf32>
        %parallel_loop3A_202 = arith.constant 0.000000e+00 : f32
        %parallel_loop3A_203 = vector.broadcast %parallel_loop3A_202 : f32 to vector<16xf32>
        %parallel_loop3A_204 = arith.maximumf %parallel_loop3A_201, %parallel_loop3A_203 : vector<16xf32>
        %parallel_loop3A_205 = arith.addf %parallel_loop3A_178, %parallel_loop3A_204 : vector<16xf32>
        %parallel_loop3A_206 = arith.subf %parallel_loop3A_200, %select_n3A_108 : vector<16xf32>
        %parallel_loop3A_207 = arith.constant 0.000000e+00 : f32
        %parallel_loop3A_208 = vector.broadcast %parallel_loop3A_207 : f32 to vector<16xf32>
        %parallel_loop3A_209 = arith.maximumf %parallel_loop3A_206, %parallel_loop3A_208 : vector<16xf32>
        %parallel_loop3A_210 = arith.addf %parallel_loop3A_183, %parallel_loop3A_209 : vector<16xf32>
        %parallel_loop3A_211 = arith.subf %parallel_loop3A_200, %select_n3A_126 : vector<16xf32>
        %parallel_loop3A_212 = arith.constant 0.000000e+00 : f32
        %parallel_loop3A_213 = vector.broadcast %parallel_loop3A_212 : f32 to vector<16xf32>
        %parallel_loop3A_214 = arith.maximumf %parallel_loop3A_211, %parallel_loop3A_213 : vector<16xf32>
        %parallel_loop3A_215 = arith.addf %parallel_loop3A_188, %parallel_loop3A_214 : vector<16xf32>
        %parallel_loop3A_216 = arith.subf %parallel_loop3A_200, %select_n3A_144 : vector<16xf32>
        %parallel_loop3A_217 = arith.constant 0.000000e+00 : f32
        %parallel_loop3A_218 = vector.broadcast %parallel_loop3A_217 : f32 to vector<16xf32>
        %parallel_loop3A_219 = arith.maximumf %parallel_loop3A_216, %parallel_loop3A_218 : vector<16xf32>
        %parallel_loop3A_220 = arith.addf %parallel_loop3A_193, %parallel_loop3A_219 : vector<16xf32>
        %parallel_loop3A_221 = arith.constant 16 : i32
        %parallel_loop3A_222 = arith.muli %parallel_loop3A_162, %parallel_loop3A_221 : i32
        %parallel_loop3A_223 = arith.constant 2 : i32
        %parallel_loop3A_224 = arith.addi %parallel_loop3A_222, %parallel_loop3A_223 : i32
        %parallel_loop3A_225 = arith.index_cast %parallel_loop3A_224 : i32 to index
        %parallel_loop3A_226 = tpu.vector_load %arg7[%parallel_loop3A_225] {strides = array<i32>} : memref<1040xf32, #tpu.memory_space<vmem>>, vector<16xf32>,
        %parallel_loop3A_227 = vector.shape_cast %parallel_loop3A_226 : vector<16xf32> to vector<16xf32>
        %parallel_loop3A_228 = arith.subf %parallel_loop3A_227, %select_n3A_91 : vector<16xf32>
        %parallel_loop3A_229 = arith.constant 0.000000e+00 : f32
        %parallel_loop3A_230 = vector.broadcast %parallel_loop3A_229 : f32 to vector<16xf32>
        %parallel_loop3A_231 = arith.maximumf %parallel_loop3A_228, %parallel_loop3A_230 : vector<16xf32>
        %parallel_loop3A_232 = arith.addf %parallel_loop3A_205, %parallel_loop3A_231 : vector<16xf32>
        %parallel_loop3A_233 = arith.subf %parallel_loop3A_227, %select_n3A_108 : vector<16xf32>
        %parallel_loop3A_234 = arith.constant 0.000000e+00 : f32
        %parallel_loop3A_235 = vector.broadcast %parallel_loop3A_234 : f32 to vector<16xf32>
        %parallel_loop3A_236 = arith.maximumf %parallel_loop3A_233, %parallel_loop3A_235 : vector<16xf32>
        %parallel_loop3A_237 = arith.addf %parallel_loop3A_210, %parallel_loop3A_236 : vector<16xf32>
        %parallel_loop3A_238 = arith.subf %parallel_loop3A_227, %select_n3A_126 : vector<16xf32>
        %parallel_loop3A_239 = arith.constant 0.000000e+00 : f32
        %parallel_loop3A_240 = vector.broadcast %parallel_loop3A_239 : f32 to vector<16xf32>
        %parallel_loop3A_241 = arith.maximumf %parallel_loop3A_238, %parallel_loop3A_240 : vector<16xf32>
        %parallel_loop3A_242 = arith.addf %parallel_loop3A_215, %parallel_loop3A_241 : vector<16xf32>
        %parallel_loop3A_243 = arith.subf %parallel_loop3A_227, %select_n3A_144 : vector<16xf32>
        %parallel_loop3A_244 = arith.constant 0.000000e+00 : f32
        %parallel_loop3A_245 = vector.broadcast %parallel_loop3A_244 : f32 to vector<16xf32>
        %parallel_loop3A_246 = arith.maximumf %parallel_loop3A_243, %parallel_loop3A_245 : vector<16xf32>
        %parallel_loop3A_247 = arith.addf %parallel_loop3A_220, %parallel_loop3A_246 : vector<16xf32>
        %parallel_loop3A_248 = arith.constant 16 : i32
        %parallel_loop3A_249 = arith.muli %parallel_loop3A_162, %parallel_loop3A_248 : i32
        %parallel_loop3A_250 = arith.constant 3 : i32
        %parallel_loop3A_251 = arith.addi %parallel_loop3A_249, %parallel_loop3A_250 : i32
        %parallel_loop3A_252 = arith.index_cast %parallel_loop3A_251 : i32 to index
        %parallel_loop3A_253 = tpu.vector_load %arg7[%parallel_loop3A_252] {strides = array<i32>} : memref<1040xf32, #tpu.memory_space<vmem>>, vector<16xf32>,
        %parallel_loop3A_254 = vector.shape_cast %parallel_loop3A_253 : vector<16xf32> to vector<16xf32>
        %parallel_loop3A_255 = arith.subf %parallel_loop3A_254, %select_n3A_91 : vector<16xf32>
        %parallel_loop3A_256 = arith.constant 0.000000e+00 : f32
        %parallel_loop3A_257 = vector.broadcast %parallel_loop3A_256 : f32 to vector<16xf32>
        %parallel_loop3A_258 = arith.maximumf %parallel_loop3A_255, %parallel_loop3A_257 : vector<16xf32>
        %parallel_loop3A_259 = arith.addf %parallel_loop3A_232, %parallel_loop3A_258 : vector<16xf32>
        %parallel_loop3A_260 = arith.subf %parallel_loop3A_254, %select_n3A_108 : vector<16xf32>
        %parallel_loop3A_261 = arith.constant 0.000000e+00 : f32
        %parallel_loop3A_262 = vector.broadcast %parallel_loop3A_261 : f32 to vector<16xf32>
        %parallel_loop3A_263 = arith.maximumf %parallel_loop3A_260, %parallel_loop3A_262 : vector<16xf32>
        %parallel_loop3A_264 = arith.addf %parallel_loop3A_237, %parallel_loop3A_263 : vector<16xf32>
        %parallel_loop3A_265 = arith.subf %parallel_loop3A_254, %select_n3A_126 : vector<16xf32>
        %parallel_loop3A_266 = arith.constant 0.000000e+00 : f32
        %parallel_loop3A_267 = vector.broadcast %parallel_loop3A_266 : f32 to vector<16xf32>
        %parallel_loop3A_268 = arith.maximumf %parallel_loop3A_265, %parallel_loop3A_267 : vector<16xf32>
        %parallel_loop3A_269 = arith.addf %parallel_loop3A_242, %parallel_loop3A_268 : vector<16xf32>
        %parallel_loop3A_270 = arith.subf %parallel_loop3A_254, %select_n3A_144 : vector<16xf32>
        %parallel_loop3A_271 = arith.constant 0.000000e+00 : f32
        %parallel_loop3A_272 = vector.broadcast %parallel_loop3A_271 : f32 to vector<16xf32>
        %parallel_loop3A_273 = arith.maximumf %parallel_loop3A_270, %parallel_loop3A_272 : vector<16xf32>
        %parallel_loop3A_274 = arith.addf %parallel_loop3A_247, %parallel_loop3A_273 : vector<16xf32>
        %parallel_loop3A_275 = arith.constant 16 : i32
        %parallel_loop3A_276 = arith.muli %parallel_loop3A_162, %parallel_loop3A_275 : i32
        %parallel_loop3A_277 = arith.constant 4 : i32
        %parallel_loop3A_278 = arith.addi %parallel_loop3A_276, %parallel_loop3A_277 : i32
        %parallel_loop3A_279 = arith.index_cast %parallel_loop3A_278 : i32 to index
        %parallel_loop3A_280 = tpu.vector_load %arg7[%parallel_loop3A_279] {strides = array<i32>} : memref<1040xf32, #tpu.memory_space<vmem>>, vector<16xf32>,
        %parallel_loop3A_281 = vector.shape_cast %parallel_loop3A_280 : vector<16xf32> to vector<16xf32>
        %parallel_loop3A_282 = arith.subf %parallel_loop3A_281, %select_n3A_91 : vector<16xf32>
        %parallel_loop3A_283 = arith.constant 0.000000e+00 : f32
        %parallel_loop3A_284 = vector.broadcast %parallel_loop3A_283 : f32 to vector<16xf32>
        %parallel_loop3A_285 = arith.maximumf %parallel_loop3A_282, %parallel_loop3A_284 : vector<16xf32>
        %parallel_loop3A_286 = arith.addf %parallel_loop3A_259, %parallel_loop3A_285 : vector<16xf32>
        %parallel_loop3A_287 = arith.subf %parallel_loop3A_281, %select_n3A_108 : vector<16xf32>
        %parallel_loop3A_288 = arith.constant 0.000000e+00 : f32
        %parallel_loop3A_289 = vector.broadcast %parallel_loop3A_288 : f32 to vector<16xf32>
        %parallel_loop3A_290 = arith.maximumf %parallel_loop3A_287, %parallel_loop3A_289 : vector<16xf32>
        %parallel_loop3A_291 = arith.addf %parallel_loop3A_264, %parallel_loop3A_290 : vector<16xf32>
        %parallel_loop3A_292 = arith.subf %parallel_loop3A_281, %select_n3A_126 : vector<16xf32>
        %parallel_loop3A_293 = arith.constant 0.000000e+00 : f32
        %parallel_loop3A_294 = vector.broadcast %parallel_loop3A_293 : f32 to vector<16xf32>
        %parallel_loop3A_295 = arith.maximumf %parallel_loop3A_292, %parallel_loop3A_294 : vector<16xf32>
        %parallel_loop3A_296 = arith.addf %parallel_loop3A_269, %parallel_loop3A_295 : vector<16xf32>
        %parallel_loop3A_297 = arith.subf %parallel_loop3A_281, %select_n3A_144 : vector<16xf32>
        %parallel_loop3A_298 = arith.constant 0.000000e+00 : f32
        %parallel_loop3A_299 = vector.broadcast %parallel_loop3A_298 : f32 to vector<16xf32>
        %parallel_loop3A_300 = arith.maximumf %parallel_loop3A_297, %parallel_loop3A_299 : vector<16xf32>
        %parallel_loop3A_301 = arith.addf %parallel_loop3A_274, %parallel_loop3A_300 : vector<16xf32>
        %parallel_loop3A_302 = arith.constant 16 : i32
        %parallel_loop3A_303 = arith.muli %parallel_loop3A_162, %parallel_loop3A_302 : i32
        %parallel_loop3A_304 = arith.constant 5 : i32
        %parallel_loop3A_305 = arith.addi %parallel_loop3A_303, %parallel_loop3A_304 : i32
        %parallel_loop3A_306 = arith.index_cast %parallel_loop3A_305 : i32 to index
        %parallel_loop3A_307 = tpu.vector_load %arg7[%parallel_loop3A_306] {strides = array<i32>} : memref<1040xf32, #tpu.memory_space<vmem>>, vector<16xf32>,
        %parallel_loop3A_308 = vector.shape_cast %parallel_loop3A_307 : vector<16xf32> to vector<16xf32>
        %parallel_loop3A_309 = arith.subf %parallel_loop3A_308, %select_n3A_91 : vector<16xf32>
        %parallel_loop3A_310 = arith.constant 0.000000e+00 : f32
        %parallel_loop3A_311 = vector.broadcast %parallel_loop3A_310 : f32 to vector<16xf32>
        %parallel_loop3A_312 = arith.maximumf %parallel_loop3A_309, %parallel_loop3A_311 : vector<16xf32>
        %parallel_loop3A_313 = arith.addf %parallel_loop3A_286, %parallel_loop3A_312 : vector<16xf32>
        %parallel_loop3A_314 = arith.subf %parallel_loop3A_308, %select_n3A_108 : vector<16xf32>
        %parallel_loop3A_315 = arith.constant 0.000000e+00 : f32
        %parallel_loop3A_316 = vector.broadcast %parallel_loop3A_315 : f32 to vector<16xf32>
        %parallel_loop3A_317 = arith.maximumf %parallel_loop3A_314, %parallel_loop3A_316 : vector<16xf32>
        %parallel_loop3A_318 = arith.addf %parallel_loop3A_291, %parallel_loop3A_317 : vector<16xf32>
        %parallel_loop3A_319 = arith.subf %parallel_loop3A_308, %select_n3A_126 : vector<16xf32>
        %parallel_loop3A_320 = arith.constant 0.000000e+00 : f32
        %parallel_loop3A_321 = vector.broadcast %parallel_loop3A_320 : f32 to vector<16xf32>
        %parallel_loop3A_322 = arith.maximumf %parallel_loop3A_319, %parallel_loop3A_321 : vector<16xf32>
        %parallel_loop3A_323 = arith.addf %parallel_loop3A_296, %parallel_loop3A_322 : vector<16xf32>
        %parallel_loop3A_324 = arith.subf %parallel_loop3A_308, %select_n3A_144 : vector<16xf32>
        %parallel_loop3A_325 = arith.constant 0.000000e+00 : f32
        %parallel_loop3A_326 = vector.broadcast %parallel_loop3A_325 : f32 to vector<16xf32>
        %parallel_loop3A_327 = arith.maximumf %parallel_loop3A_324, %parallel_loop3A_326 : vector<16xf32>
        %parallel_loop3A_328 = arith.addf %parallel_loop3A_301, %parallel_loop3A_327 : vector<16xf32>
        %parallel_loop3A_329 = arith.constant 16 : i32
        %parallel_loop3A_330 = arith.muli %parallel_loop3A_162, %parallel_loop3A_329 : i32
        %parallel_loop3A_331 = arith.constant 6 : i32
        %parallel_loop3A_332 = arith.addi %parallel_loop3A_330, %parallel_loop3A_331 : i32
        %parallel_loop3A_333 = arith.index_cast %parallel_loop3A_332 : i32 to index
        %parallel_loop3A_334 = tpu.vector_load %arg7[%parallel_loop3A_333] {strides = array<i32>} : memref<1040xf32, #tpu.memory_space<vmem>>, vector<16xf32>,
        %parallel_loop3A_335 = vector.shape_cast %parallel_loop3A_334 : vector<16xf32> to vector<16xf32>
        %parallel_loop3A_336 = arith.subf %parallel_loop3A_335, %select_n3A_91 : vector<16xf32>
        %parallel_loop3A_337 = arith.constant 0.000000e+00 : f32
        %parallel_loop3A_338 = vector.broadcast %parallel_loop3A_337 : f32 to vector<16xf32>
        %parallel_loop3A_339 = arith.maximumf %parallel_loop3A_336, %parallel_loop3A_338 : vector<16xf32>
        %parallel_loop3A_340 = arith.addf %parallel_loop3A_313, %parallel_loop3A_339 : vector<16xf32>
        %parallel_loop3A_341 = arith.subf %parallel_loop3A_335, %select_n3A_108 : vector<16xf32>
        %parallel_loop3A_342 = arith.constant 0.000000e+00 : f32
        %parallel_loop3A_343 = vector.broadcast %parallel_loop3A_342 : f32 to vector<16xf32>
        %parallel_loop3A_344 = arith.maximumf %parallel_loop3A_341, %parallel_loop3A_343 : vector<16xf32>
        %parallel_loop3A_345 = arith.addf %parallel_loop3A_318, %parallel_loop3A_344 : vector<16xf32>
        %parallel_loop3A_346 = arith.subf %parallel_loop3A_335, %select_n3A_126 : vector<16xf32>
        %parallel_loop3A_347 = arith.constant 0.000000e+00 : f32
        %parallel_loop3A_348 = vector.broadcast %parallel_loop3A_347 : f32 to vector<16xf32>
        %parallel_loop3A_349 = arith.maximumf %parallel_loop3A_346, %parallel_loop3A_348 : vector<16xf32>
        %parallel_loop3A_350 = arith.addf %parallel_loop3A_323, %parallel_loop3A_349 : vector<16xf32>
        %parallel_loop3A_351 = arith.subf %parallel_loop3A_335, %select_n3A_144 : vector<16xf32>
        %parallel_loop3A_352 = arith.constant 0.000000e+00 : f32
        %parallel_loop3A_353 = vector.broadcast %parallel_loop3A_352 : f32 to vector<16xf32>
        %parallel_loop3A_354 = arith.maximumf %parallel_loop3A_351, %parallel_loop3A_353 : vector<16xf32>
        %parallel_loop3A_355 = arith.addf %parallel_loop3A_328, %parallel_loop3A_354 : vector<16xf32>
        %parallel_loop3A_356 = arith.constant 16 : i32
        %parallel_loop3A_357 = arith.muli %parallel_loop3A_162, %parallel_loop3A_356 : i32
        %parallel_loop3A_358 = arith.constant 7 : i32
        %parallel_loop3A_359 = arith.addi %parallel_loop3A_357, %parallel_loop3A_358 : i32
        %parallel_loop3A_360 = arith.index_cast %parallel_loop3A_359 : i32 to index
        %parallel_loop3A_361 = tpu.vector_load %arg7[%parallel_loop3A_360] {strides = array<i32>} : memref<1040xf32, #tpu.memory_space<vmem>>, vector<16xf32>,
        %parallel_loop3A_362 = vector.shape_cast %parallel_loop3A_361 : vector<16xf32> to vector<16xf32>
        %parallel_loop3A_363 = arith.subf %parallel_loop3A_362, %select_n3A_91 : vector<16xf32>
        %parallel_loop3A_364 = arith.constant 0.000000e+00 : f32
        %parallel_loop3A_365 = vector.broadcast %parallel_loop3A_364 : f32 to vector<16xf32>
        %parallel_loop3A_366 = arith.maximumf %parallel_loop3A_363, %parallel_loop3A_365 : vector<16xf32>
        %parallel_loop3A_367 = arith.addf %parallel_loop3A_340, %parallel_loop3A_366 : vector<16xf32>
        %parallel_loop3A_368 = arith.subf %parallel_loop3A_362, %select_n3A_108 : vector<16xf32>
        %parallel_loop3A_369 = arith.constant 0.000000e+00 : f32
        %parallel_loop3A_370 = vector.broadcast %parallel_loop3A_369 : f32 to vector<16xf32>
        %parallel_loop3A_371 = arith.maximumf %parallel_loop3A_368, %parallel_loop3A_370 : vector<16xf32>
        %parallel_loop3A_372 = arith.addf %parallel_loop3A_345, %parallel_loop3A_371 : vector<16xf32>
        %parallel_loop3A_373 = arith.subf %parallel_loop3A_362, %select_n3A_126 : vector<16xf32>
        %parallel_loop3A_374 = arith.constant 0.000000e+00 : f32
        %parallel_loop3A_375 = vector.broadcast %parallel_loop3A_374 : f32 to vector<16xf32>
        %parallel_loop3A_376 = arith.maximumf %parallel_loop3A_373, %parallel_loop3A_375 : vector<16xf32>
        %parallel_loop3A_377 = arith.addf %parallel_loop3A_350, %parallel_loop3A_376 : vector<16xf32>
        %parallel_loop3A_378 = arith.subf %parallel_loop3A_362, %select_n3A_144 : vector<16xf32>
        %parallel_loop3A_379 = arith.constant 0.000000e+00 : f32
        %parallel_loop3A_380 = vector.broadcast %parallel_loop3A_379 : f32 to vector<16xf32>
        %parallel_loop3A_381 = arith.maximumf %parallel_loop3A_378, %parallel_loop3A_380 : vector<16xf32>
        %parallel_loop3A_382 = arith.addf %parallel_loop3A_355, %parallel_loop3A_381 : vector<16xf32>
        %parallel_loop3A_383 = arith.constant 16 : i32
        %parallel_loop3A_384 = arith.muli %parallel_loop3A_162, %parallel_loop3A_383 : i32
        %parallel_loop3A_385 = arith.constant 8 : i32
        %parallel_loop3A_386 = arith.addi %parallel_loop3A_384, %parallel_loop3A_385 : i32
        %parallel_loop3A_387 = arith.index_cast %parallel_loop3A_386 : i32 to index
        %parallel_loop3A_388 = tpu.vector_load %arg7[%parallel_loop3A_387] {strides = array<i32>} : memref<1040xf32, #tpu.memory_space<vmem>>, vector<16xf32>,
        %parallel_loop3A_389 = vector.shape_cast %parallel_loop3A_388 : vector<16xf32> to vector<16xf32>
        %parallel_loop3A_390 = arith.subf %parallel_loop3A_389, %select_n3A_91 : vector<16xf32>
        %parallel_loop3A_391 = arith.constant 0.000000e+00 : f32
        %parallel_loop3A_392 = vector.broadcast %parallel_loop3A_391 : f32 to vector<16xf32>
        %parallel_loop3A_393 = arith.maximumf %parallel_loop3A_390, %parallel_loop3A_392 : vector<16xf32>
        %parallel_loop3A_394 = arith.addf %parallel_loop3A_367, %parallel_loop3A_393 : vector<16xf32>
        %parallel_loop3A_395 = arith.subf %parallel_loop3A_389, %select_n3A_108 : vector<16xf32>
        %parallel_loop3A_396 = arith.constant 0.000000e+00 : f32
        %parallel_loop3A_397 = vector.broadcast %parallel_loop3A_396 : f32 to vector<16xf32>
        %parallel_loop3A_398 = arith.maximumf %parallel_loop3A_395, %parallel_loop3A_397 : vector<16xf32>
        %parallel_loop3A_399 = arith.addf %parallel_loop3A_372, %parallel_loop3A_398 : vector<16xf32>
        %parallel_loop3A_400 = arith.subf %parallel_loop3A_389, %select_n3A_126 : vector<16xf32>
        %parallel_loop3A_401 = arith.constant 0.000000e+00 : f32
        %parallel_loop3A_402 = vector.broadcast %parallel_loop3A_401 : f32 to vector<16xf32>
        %parallel_loop3A_403 = arith.maximumf %parallel_loop3A_400, %parallel_loop3A_402 : vector<16xf32>
        %parallel_loop3A_404 = arith.addf %parallel_loop3A_377, %parallel_loop3A_403 : vector<16xf32>
        %parallel_loop3A_405 = arith.subf %parallel_loop3A_389, %select_n3A_144 : vector<16xf32>
        %parallel_loop3A_406 = arith.constant 0.000000e+00 : f32
        %parallel_loop3A_407 = vector.broadcast %parallel_loop3A_406 : f32 to vector<16xf32>
        %parallel_loop3A_408 = arith.maximumf %parallel_loop3A_405, %parallel_loop3A_407 : vector<16xf32>
        %parallel_loop3A_409 = arith.addf %parallel_loop3A_382, %parallel_loop3A_408 : vector<16xf32>
        %parallel_loop3A_410 = arith.constant 16 : i32
        %parallel_loop3A_411 = arith.muli %parallel_loop3A_162, %parallel_loop3A_410 : i32
        %parallel_loop3A_412 = arith.constant 9 : i32
        %parallel_loop3A_413 = arith.addi %parallel_loop3A_411, %parallel_loop3A_412 : i32
        %parallel_loop3A_414 = arith.index_cast %parallel_loop3A_413 : i32 to index
        %parallel_loop3A_415 = tpu.vector_load %arg7[%parallel_loop3A_414] {strides = array<i32>} : memref<1040xf32, #tpu.memory_space<vmem>>, vector<16xf32>,
        %parallel_loop3A_416 = vector.shape_cast %parallel_loop3A_415 : vector<16xf32> to vector<16xf32>
        %parallel_loop3A_417 = arith.subf %parallel_loop3A_416, %select_n3A_91 : vector<16xf32>
        %parallel_loop3A_418 = arith.constant 0.000000e+00 : f32
        %parallel_loop3A_419 = vector.broadcast %parallel_loop3A_418 : f32 to vector<16xf32>
        %parallel_loop3A_420 = arith.maximumf %parallel_loop3A_417, %parallel_loop3A_419 : vector<16xf32>
        %parallel_loop3A_421 = arith.addf %parallel_loop3A_394, %parallel_loop3A_420 : vector<16xf32>
        %parallel_loop3A_422 = arith.subf %parallel_loop3A_416, %select_n3A_108 : vector<16xf32>
        %parallel_loop3A_423 = arith.constant 0.000000e+00 : f32
        %parallel_loop3A_424 = vector.broadcast %parallel_loop3A_423 : f32 to vector<16xf32>
        %parallel_loop3A_425 = arith.maximumf %parallel_loop3A_422, %parallel_loop3A_424 : vector<16xf32>
        %parallel_loop3A_426 = arith.addf %parallel_loop3A_399, %parallel_loop3A_425 : vector<16xf32>
        %parallel_loop3A_427 = arith.subf %parallel_loop3A_416, %select_n3A_126 : vector<16xf32>
        %parallel_loop3A_428 = arith.constant 0.000000e+00 : f32
        %parallel_loop3A_429 = vector.broadcast %parallel_loop3A_428 : f32 to vector<16xf32>
        %parallel_loop3A_430 = arith.maximumf %parallel_loop3A_427, %parallel_loop3A_429 : vector<16xf32>
        %parallel_loop3A_431 = arith.addf %parallel_loop3A_404, %parallel_loop3A_430 : vector<16xf32>
        %parallel_loop3A_432 = arith.subf %parallel_loop3A_416, %select_n3A_144 : vector<16xf32>
        %parallel_loop3A_433 = arith.constant 0.000000e+00 : f32
        %parallel_loop3A_434 = vector.broadcast %parallel_loop3A_433 : f32 to vector<16xf32>
        %parallel_loop3A_435 = arith.maximumf %parallel_loop3A_432, %parallel_loop3A_434 : vector<16xf32>
        %parallel_loop3A_436 = arith.addf %parallel_loop3A_409, %parallel_loop3A_435 : vector<16xf32>
        %parallel_loop3A_437 = arith.constant 16 : i32
        %parallel_loop3A_438 = arith.muli %parallel_loop3A_162, %parallel_loop3A_437 : i32
        %parallel_loop3A_439 = arith.constant 10 : i32
        %parallel_loop3A_440 = arith.addi %parallel_loop3A_438, %parallel_loop3A_439 : i32
        %parallel_loop3A_441 = arith.index_cast %parallel_loop3A_440 : i32 to index
        %parallel_loop3A_442 = tpu.vector_load %arg7[%parallel_loop3A_441] {strides = array<i32>} : memref<1040xf32, #tpu.memory_space<vmem>>, vector<16xf32>,
        %parallel_loop3A_443 = vector.shape_cast %parallel_loop3A_442 : vector<16xf32> to vector<16xf32>
        %parallel_loop3A_444 = arith.subf %parallel_loop3A_443, %select_n3A_91 : vector<16xf32>
        %parallel_loop3A_445 = arith.constant 0.000000e+00 : f32
        %parallel_loop3A_446 = vector.broadcast %parallel_loop3A_445 : f32 to vector<16xf32>
        %parallel_loop3A_447 = arith.maximumf %parallel_loop3A_444, %parallel_loop3A_446 : vector<16xf32>
        %parallel_loop3A_448 = arith.addf %parallel_loop3A_421, %parallel_loop3A_447 : vector<16xf32>
        %parallel_loop3A_449 = arith.subf %parallel_loop3A_443, %select_n3A_108 : vector<16xf32>
        %parallel_loop3A_450 = arith.constant 0.000000e+00 : f32
        %parallel_loop3A_451 = vector.broadcast %parallel_loop3A_450 : f32 to vector<16xf32>
        %parallel_loop3A_452 = arith.maximumf %parallel_loop3A_449, %parallel_loop3A_451 : vector<16xf32>
        %parallel_loop3A_453 = arith.addf %parallel_loop3A_426, %parallel_loop3A_452 : vector<16xf32>
        %parallel_loop3A_454 = arith.subf %parallel_loop3A_443, %select_n3A_126 : vector<16xf32>
        %parallel_loop3A_455 = arith.constant 0.000000e+00 : f32
        %parallel_loop3A_456 = vector.broadcast %parallel_loop3A_455 : f32 to vector<16xf32>
        %parallel_loop3A_457 = arith.maximumf %parallel_loop3A_454, %parallel_loop3A_456 : vector<16xf32>
        %parallel_loop3A_458 = arith.addf %parallel_loop3A_431, %parallel_loop3A_457 : vector<16xf32>
        %parallel_loop3A_459 = arith.subf %parallel_loop3A_443, %select_n3A_144 : vector<16xf32>
        %parallel_loop3A_460 = arith.constant 0.000000e+00 : f32
        %parallel_loop3A_461 = vector.broadcast %parallel_loop3A_460 : f32 to vector<16xf32>
        %parallel_loop3A_462 = arith.maximumf %parallel_loop3A_459, %parallel_loop3A_461 : vector<16xf32>
        %parallel_loop3A_463 = arith.addf %parallel_loop3A_436, %parallel_loop3A_462 : vector<16xf32>
        %parallel_loop3A_464 = arith.constant 16 : i32
        %parallel_loop3A_465 = arith.muli %parallel_loop3A_162, %parallel_loop3A_464 : i32
        %parallel_loop3A_466 = arith.constant 11 : i32
        %parallel_loop3A_467 = arith.addi %parallel_loop3A_465, %parallel_loop3A_466 : i32
        %parallel_loop3A_468 = arith.index_cast %parallel_loop3A_467 : i32 to index
        %parallel_loop3A_469 = tpu.vector_load %arg7[%parallel_loop3A_468] {strides = array<i32>} : memref<1040xf32, #tpu.memory_space<vmem>>, vector<16xf32>,
        %parallel_loop3A_470 = vector.shape_cast %parallel_loop3A_469 : vector<16xf32> to vector<16xf32>
        %parallel_loop3A_471 = arith.subf %parallel_loop3A_470, %select_n3A_91 : vector<16xf32>
        %parallel_loop3A_472 = arith.constant 0.000000e+00 : f32
        %parallel_loop3A_473 = vector.broadcast %parallel_loop3A_472 : f32 to vector<16xf32>
        %parallel_loop3A_474 = arith.maximumf %parallel_loop3A_471, %parallel_loop3A_473 : vector<16xf32>
        %parallel_loop3A_475 = arith.addf %parallel_loop3A_448, %parallel_loop3A_474 : vector<16xf32>
        %parallel_loop3A_476 = arith.subf %parallel_loop3A_470, %select_n3A_108 : vector<16xf32>
        %parallel_loop3A_477 = arith.constant 0.000000e+00 : f32
        %parallel_loop3A_478 = vector.broadcast %parallel_loop3A_477 : f32 to vector<16xf32>
        %parallel_loop3A_479 = arith.maximumf %parallel_loop3A_476, %parallel_loop3A_478 : vector<16xf32>
        %parallel_loop3A_480 = arith.addf %parallel_loop3A_453, %parallel_loop3A_479 : vector<16xf32>
        %parallel_loop3A_481 = arith.subf %parallel_loop3A_470, %select_n3A_126 : vector<16xf32>
        %parallel_loop3A_482 = arith.constant 0.000000e+00 : f32
        %parallel_loop3A_483 = vector.broadcast %parallel_loop3A_482 : f32 to vector<16xf32>
        %parallel_loop3A_484 = arith.maximumf %parallel_loop3A_481, %parallel_loop3A_483 : vector<16xf32>
        %parallel_loop3A_485 = arith.addf %parallel_loop3A_458, %parallel_loop3A_484 : vector<16xf32>
        %parallel_loop3A_486 = arith.subf %parallel_loop3A_470, %select_n3A_144 : vector<16xf32>
        %parallel_loop3A_487 = arith.constant 0.000000e+00 : f32
        %parallel_loop3A_488 = vector.broadcast %parallel_loop3A_487 : f32 to vector<16xf32>
        %parallel_loop3A_489 = arith.maximumf %parallel_loop3A_486, %parallel_loop3A_488 : vector<16xf32>
        %parallel_loop3A_490 = arith.addf %parallel_loop3A_463, %parallel_loop3A_489 : vector<16xf32>
        %parallel_loop3A_491 = arith.constant 16 : i32
        %parallel_loop3A_492 = arith.muli %parallel_loop3A_162, %parallel_loop3A_491 : i32
        %parallel_loop3A_493 = arith.constant 12 : i32
        %parallel_loop3A_494 = arith.addi %parallel_loop3A_492, %parallel_loop3A_493 : i32
        %parallel_loop3A_495 = arith.index_cast %parallel_loop3A_494 : i32 to index
        %parallel_loop3A_496 = tpu.vector_load %arg7[%parallel_loop3A_495] {strides = array<i32>} : memref<1040xf32, #tpu.memory_space<vmem>>, vector<16xf32>,
        %parallel_loop3A_497 = vector.shape_cast %parallel_loop3A_496 : vector<16xf32> to vector<16xf32>
        %parallel_loop3A_498 = arith.subf %parallel_loop3A_497, %select_n3A_91 : vector<16xf32>
        %parallel_loop3A_499 = arith.constant 0.000000e+00 : f32
        %parallel_loop3A_500 = vector.broadcast %parallel_loop3A_499 : f32 to vector<16xf32>
        %parallel_loop3A_501 = arith.maximumf %parallel_loop3A_498, %parallel_loop3A_500 : vector<16xf32>
        %parallel_loop3A_502 = arith.addf %parallel_loop3A_475, %parallel_loop3A_501 : vector<16xf32>
        %parallel_loop3A_503 = arith.subf %parallel_loop3A_497, %select_n3A_108 : vector<16xf32>
        %parallel_loop3A_504 = arith.constant 0.000000e+00 : f32
        %parallel_loop3A_505 = vector.broadcast %parallel_loop3A_504 : f32 to vector<16xf32>
        %parallel_loop3A_506 = arith.maximumf %parallel_loop3A_503, %parallel_loop3A_505 : vector<16xf32>
        %parallel_loop3A_507 = arith.addf %parallel_loop3A_480, %parallel_loop3A_506 : vector<16xf32>
        %parallel_loop3A_508 = arith.subf %parallel_loop3A_497, %select_n3A_126 : vector<16xf32>
        %parallel_loop3A_509 = arith.constant 0.000000e+00 : f32
        %parallel_loop3A_510 = vector.broadcast %parallel_loop3A_509 : f32 to vector<16xf32>
        %parallel_loop3A_511 = arith.maximumf %parallel_loop3A_508, %parallel_loop3A_510 : vector<16xf32>
        %parallel_loop3A_512 = arith.addf %parallel_loop3A_485, %parallel_loop3A_511 : vector<16xf32>
        %parallel_loop3A_513 = arith.subf %parallel_loop3A_497, %select_n3A_144 : vector<16xf32>
        %parallel_loop3A_514 = arith.constant 0.000000e+00 : f32
        %parallel_loop3A_515 = vector.broadcast %parallel_loop3A_514 : f32 to vector<16xf32>
        %parallel_loop3A_516 = arith.maximumf %parallel_loop3A_513, %parallel_loop3A_515 : vector<16xf32>
        %parallel_loop3A_517 = arith.addf %parallel_loop3A_490, %parallel_loop3A_516 : vector<16xf32>
        %parallel_loop3A_518 = arith.constant 16 : i32
        %parallel_loop3A_519 = arith.muli %parallel_loop3A_162, %parallel_loop3A_518 : i32
        %parallel_loop3A_520 = arith.constant 13 : i32
        %parallel_loop3A_521 = arith.addi %parallel_loop3A_519, %parallel_loop3A_520 : i32
        %parallel_loop3A_522 = arith.index_cast %parallel_loop3A_521 : i32 to index
        %parallel_loop3A_523 = tpu.vector_load %arg7[%parallel_loop3A_522] {strides = array<i32>} : memref<1040xf32, #tpu.memory_space<vmem>>, vector<16xf32>,
        %parallel_loop3A_524 = vector.shape_cast %parallel_loop3A_523 : vector<16xf32> to vector<16xf32>
        %parallel_loop3A_525 = arith.subf %parallel_loop3A_524, %select_n3A_91 : vector<16xf32>
        %parallel_loop3A_526 = arith.constant 0.000000e+00 : f32
        %parallel_loop3A_527 = vector.broadcast %parallel_loop3A_526 : f32 to vector<16xf32>
        %parallel_loop3A_528 = arith.maximumf %parallel_loop3A_525, %parallel_loop3A_527 : vector<16xf32>
        %parallel_loop3A_529 = arith.addf %parallel_loop3A_502, %parallel_loop3A_528 : vector<16xf32>
        %parallel_loop3A_530 = arith.subf %parallel_loop3A_524, %select_n3A_108 : vector<16xf32>
        %parallel_loop3A_531 = arith.constant 0.000000e+00 : f32
        %parallel_loop3A_532 = vector.broadcast %parallel_loop3A_531 : f32 to vector<16xf32>
        %parallel_loop3A_533 = arith.maximumf %parallel_loop3A_530, %parallel_loop3A_532 : vector<16xf32>
        %parallel_loop3A_534 = arith.addf %parallel_loop3A_507, %parallel_loop3A_533 : vector<16xf32>
        %parallel_loop3A_535 = arith.subf %parallel_loop3A_524, %select_n3A_126 : vector<16xf32>
        %parallel_loop3A_536 = arith.constant 0.000000e+00 : f32
        %parallel_loop3A_537 = vector.broadcast %parallel_loop3A_536 : f32 to vector<16xf32>
        %parallel_loop3A_538 = arith.maximumf %parallel_loop3A_535, %parallel_loop3A_537 : vector<16xf32>
        %parallel_loop3A_539 = arith.addf %parallel_loop3A_512, %parallel_loop3A_538 : vector<16xf32>
        %parallel_loop3A_540 = arith.subf %parallel_loop3A_524, %select_n3A_144 : vector<16xf32>
        %parallel_loop3A_541 = arith.constant 0.000000e+00 : f32
        %parallel_loop3A_542 = vector.broadcast %parallel_loop3A_541 : f32 to vector<16xf32>
        %parallel_loop3A_543 = arith.maximumf %parallel_loop3A_540, %parallel_loop3A_542 : vector<16xf32>
        %parallel_loop3A_544 = arith.addf %parallel_loop3A_517, %parallel_loop3A_543 : vector<16xf32>
        %parallel_loop3A_545 = arith.constant 16 : i32
        %parallel_loop3A_546 = arith.muli %parallel_loop3A_162, %parallel_loop3A_545 : i32
        %parallel_loop3A_547 = arith.constant 14 : i32
        %parallel_loop3A_548 = arith.addi %parallel_loop3A_546, %parallel_loop3A_547 : i32
        %parallel_loop3A_549 = arith.index_cast %parallel_loop3A_548 : i32 to index
        %parallel_loop3A_550 = tpu.vector_load %arg7[%parallel_loop3A_549] {strides = array<i32>} : memref<1040xf32, #tpu.memory_space<vmem>>, vector<16xf32>,
        %parallel_loop3A_551 = vector.shape_cast %parallel_loop3A_550 : vector<16xf32> to vector<16xf32>
        %parallel_loop3A_552 = arith.subf %parallel_loop3A_551, %select_n3A_91 : vector<16xf32>
        %parallel_loop3A_553 = arith.constant 0.000000e+00 : f32
        %parallel_loop3A_554 = vector.broadcast %parallel_loop3A_553 : f32 to vector<16xf32>
        %parallel_loop3A_555 = arith.maximumf %parallel_loop3A_552, %parallel_loop3A_554 : vector<16xf32>
        %parallel_loop3A_556 = arith.addf %parallel_loop3A_529, %parallel_loop3A_555 : vector<16xf32>
        %parallel_loop3A_557 = arith.subf %parallel_loop3A_551, %select_n3A_108 : vector<16xf32>
        %parallel_loop3A_558 = arith.constant 0.000000e+00 : f32
        %parallel_loop3A_559 = vector.broadcast %parallel_loop3A_558 : f32 to vector<16xf32>
        %parallel_loop3A_560 = arith.maximumf %parallel_loop3A_557, %parallel_loop3A_559 : vector<16xf32>
        %parallel_loop3A_561 = arith.addf %parallel_loop3A_534, %parallel_loop3A_560 : vector<16xf32>
        %parallel_loop3A_562 = arith.subf %parallel_loop3A_551, %select_n3A_126 : vector<16xf32>
        %parallel_loop3A_563 = arith.constant 0.000000e+00 : f32
        %parallel_loop3A_564 = vector.broadcast %parallel_loop3A_563 : f32 to vector<16xf32>
        %parallel_loop3A_565 = arith.maximumf %parallel_loop3A_562, %parallel_loop3A_564 : vector<16xf32>
        %parallel_loop3A_566 = arith.addf %parallel_loop3A_539, %parallel_loop3A_565 : vector<16xf32>
        %parallel_loop3A_567 = arith.subf %parallel_loop3A_551, %select_n3A_144 : vector<16xf32>
        %parallel_loop3A_568 = arith.constant 0.000000e+00 : f32
        %parallel_loop3A_569 = vector.broadcast %parallel_loop3A_568 : f32 to vector<16xf32>
        %parallel_loop3A_570 = arith.maximumf %parallel_loop3A_567, %parallel_loop3A_569 : vector<16xf32>
        %parallel_loop3A_571 = arith.addf %parallel_loop3A_544, %parallel_loop3A_570 : vector<16xf32>
        %parallel_loop3A_572 = arith.constant 16 : i32
        %parallel_loop3A_573 = arith.muli %parallel_loop3A_162, %parallel_loop3A_572 : i32
        %parallel_loop3A_574 = arith.constant 15 : i32
        %parallel_loop3A_575 = arith.addi %parallel_loop3A_573, %parallel_loop3A_574 : i32
        %parallel_loop3A_576 = arith.index_cast %parallel_loop3A_575 : i32 to index
        %parallel_loop3A_577 = tpu.vector_load %arg7[%parallel_loop3A_576] {strides = array<i32>} : memref<1040xf32, #tpu.memory_space<vmem>>, vector<16xf32>,
        %parallel_loop3A_578 = vector.shape_cast %parallel_loop3A_577 : vector<16xf32> to vector<16xf32>
        %parallel_loop3A_579 = arith.subf %parallel_loop3A_578, %select_n3A_91 : vector<16xf32>
        %parallel_loop3A_580 = arith.constant 0.000000e+00 : f32
        %parallel_loop3A_581 = vector.broadcast %parallel_loop3A_580 : f32 to vector<16xf32>
        %parallel_loop3A_582 = arith.maximumf %parallel_loop3A_579, %parallel_loop3A_581 : vector<16xf32>
        %parallel_loop3A_583 = arith.addf %parallel_loop3A_556, %parallel_loop3A_582 : vector<16xf32>
        %parallel_loop3A_584 = arith.subf %parallel_loop3A_578, %select_n3A_108 : vector<16xf32>
        %parallel_loop3A_585 = arith.constant 0.000000e+00 : f32
        %parallel_loop3A_586 = vector.broadcast %parallel_loop3A_585 : f32 to vector<16xf32>
        %parallel_loop3A_587 = arith.maximumf %parallel_loop3A_584, %parallel_loop3A_586 : vector<16xf32>
        %parallel_loop3A_588 = arith.addf %parallel_loop3A_561, %parallel_loop3A_587 : vector<16xf32>
        %parallel_loop3A_589 = arith.subf %parallel_loop3A_578, %select_n3A_126 : vector<16xf32>
        %parallel_loop3A_590 = arith.constant 0.000000e+00 : f32
        %parallel_loop3A_591 = vector.broadcast %parallel_loop3A_590 : f32 to vector<16xf32>
        %parallel_loop3A_592 = arith.maximumf %parallel_loop3A_589, %parallel_loop3A_591 : vector<16xf32>
        %parallel_loop3A_593 = arith.addf %parallel_loop3A_566, %parallel_loop3A_592 : vector<16xf32>
        %parallel_loop3A_594 = arith.subf %parallel_loop3A_578, %select_n3A_144 : vector<16xf32>
        %parallel_loop3A_595 = arith.constant 0.000000e+00 : f32
        %parallel_loop3A_596 = vector.broadcast %parallel_loop3A_595 : f32 to vector<16xf32>
        %parallel_loop3A_597 = arith.maximumf %parallel_loop3A_594, %parallel_loop3A_596 : vector<16xf32>
        %parallel_loop3A_598 = arith.addf %parallel_loop3A_571, %parallel_loop3A_597 : vector<16xf32>
        scf.yield %parallel_loop3A_583, %parallel_loop3A_588, %parallel_loop3A_593, %parallel_loop3A_598 : vector<16xf32>, vector<16xf32>, vector<16xf32>, vector<16xf32>
      } {sc.loop_unroll_factor = 4 : i64, sc.parallel_access}
      %add3A_158 = arith.addf %scan3A_71, %parallel_loop3A_157#0 : vector<16xf32>
      %add3A_159 = arith.addf %add3A_158, %parallel_loop3A_157#1 : vector<16xf32>
      %add3A_160 = arith.addf %add3A_159, %parallel_loop3A_157#2 : vector<16xf32>
      %add3A_161 = arith.addf %add3A_160, %parallel_loop3A_157#3 : vector<16xf32>
      scf.yield %add3A_161, %add3A_146 : vector<16xf32>, vector<16xf32>
    }
    %scan3A_61 = arith.constant 2 : i32
    %swap3A_62 = arith.constant 0 : index
    %swap3A_63 = tpu.vector_load %arg8[%swap3A_62] {strides = array<i32>} : memref<32xf32, #tpu.memory_space<vmem>>, vector<16xf32>,
    %swap3A_64 = vector.shape_cast %swap3A_63 : vector<16xf32> to vector<16xf32>
    %swap3A_65 = vector.shape_cast %scan3A_60#0 : vector<16xf32> to vector<16xf32>
    tpu.vector_store %arg8[%swap3A_62], %swap3A_65 {strides = array<i32>} : memref<32xf32, #tpu.memory_space<vmem>>, vector<16xf32>,
    %swap3A_66 = arith.constant 16 : index
    %swap3A_67 = tpu.vector_load %arg8[%swap3A_66] {strides = array<i32>} : memref<32xf32, #tpu.memory_space<vmem>>, vector<16xf32>,
    %swap3A_68 = vector.shape_cast %swap3A_67 : vector<16xf32> to vector<16xf32>
    %swap3A_69 = vector.shape_cast %scan3A_60#1 : vector<16xf32> to vector<16xf32>
    tpu.vector_store %arg8[%swap3A_66], %swap3A_69 {strides = array<i32>} : memref<32xf32, #tpu.memory_space<vmem>>, vector<16xf32>,
    "tpu.region"() ({
      %run_scoped3A = tpu.sem_alloc : memref<!tpu.dma_semaphore, #tpu.memory_space<semaphore_mem>>
      %dma_start3A_70 = arith.constant 0 : i32
      %dma_start3A_71 = tpu.memref_slice %arg4[%add3A, %dma_start3A_70] : memref<32x32xf32, #tpu.memory_space<hbm>> -> memref<1x32xf32, #tpu.memory_space<hbm>>
      %dma_start3A_72 = tpu.memref_squeeze %dma_start3A_71 : memref<1x32xf32, #tpu.memory_space<hbm>> -> memref<32xf32, #tpu.memory_space<hbm>>
      %dma_start3A_73 = arith.constant 0 : i32
      %dma_start3A_74 = tpu.memref_slice %arg4[%add3A, %dma_start3A_73] : memref<32x32xf32, #tpu.memory_space<hbm>> -> memref<1x32xf32, #tpu.memory_space<hbm>>
      %dma_start3A_75 = tpu.memref_squeeze %dma_start3A_74 : memref<1x32xf32, #tpu.memory_space<hbm>> -> memref<32xf32, #tpu.memory_space<hbm>>
      tpu.enqueue_dma source(%arg8 : memref<32xf32, #tpu.memory_space<vmem>>) target(%dma_start3A_75 : memref<32xf32, #tpu.memory_space<hbm>>) target_semaphore(%run_scoped3A : memref<!tpu.dma_semaphore, #tpu.memory_space<semaphore_mem>>)
      %dma_wait3A_76 = arith.constant 0 : i32
      %dma_wait3A_77 = tpu.memref_slice %arg4[%add3A, %dma_wait3A_76] : memref<32x32xf32, #tpu.memory_space<hbm>> -> memref<1x32xf32, #tpu.memory_space<hbm>>
      %dma_wait3A_78 = tpu.memref_squeeze %dma_wait3A_77 : memref<1x32xf32, #tpu.memory_space<hbm>> -> memref<32xf32, #tpu.memory_space<hbm>>
      %dma_wait3A_79 = arith.constant 0 : i32
      %dma_wait3A_80 = tpu.memref_slice %arg4[%add3A, %dma_wait3A_79] : memref<32x32xf32, #tpu.memory_space<hbm>> -> memref<1x32xf32, #tpu.memory_space<hbm>>
      %dma_wait3A_81 = tpu.memref_squeeze %dma_wait3A_80 : memref<1x32xf32, #tpu.memory_space<hbm>> -> memref<32xf32, #tpu.memory_space<hbm>>
      tpu.wait_dma2 semaphore(%run_scoped3A : memref<!tpu.dma_semaphore, #tpu.memory_space<semaphore_mem>>) src(%arg8 : memref<32xf32, #tpu.memory_space<vmem>>) dst(%dma_wait3A_81 : memref<32xf32, #tpu.memory_space<hbm>>)
      tpu.yield
    }) : () -> ()
    return
  }
}

</mosaic_0001>

<sc_bundles>
// kernel: kernel.3.cloned.1.call-start
scs
__scs_entry_jumppad:
0x0: {  	(pc) =	sbr.rel $0x88, $3  }
0x1: {  	(tag) =	ssettag $0x0;
	lr =	simm.s32 $0x1  }
0x2: {  	[smem:$0x3F9F] =	sst lr;
	_ =	strace $0xD0000000  }
0x3: {  	_ = 	snop  }
0x4: {  	_ = 	snop  }
0x5: {  	_ = 	snop  }
0x6: {  	_ = 	snop  }
0x7: {  	_ = 	snop  }
__scs_overlays_trampoline_lowered:
0x8: {  	[smem:$0x3FAE] =	sst s0  }
0x9: {  	[smem:$0x3FAF] =	sst s1  }
0xa: {  	[smem:$0x3FB0] =	sst s2  }
0xb: {  	[smem:$0x3FB1] =	sst s3  }
0xc: {  	[smem:$0x3FB2] =	sst s4  }
0xd: {  	[smem:$0x3FB3] =	sst s5  }
0xe: {  	[smem:$0x3FB4] =	sst s6  }
0xf: {  	[smem:$0x3FB5] =	sst s7  }
0x10: {  	[smem:$0x3FB6] =	sst s8  }
0x11: {  	[smem:$0x3FB7] =	sst s9;
	s0 =	simm.s32 @!p0 $0x0  }
0x12: {  	s1 =	sld [smem:$0x3F9D];
	s0 =	simm.s32 @p0 $0x1  }
0x13: {  	[smem:$0x3FB8] =	sst s0;
	s0 =	simm.s32 @!p1 $0x0  }
0x14: {  	s2 =	sld [smem:$0x3F9C];
	s0 =	simm.s32 @p1 $0x1  }
0x15: {  	[smem:$0x3FB9] =	sst s0;
	s0 =	simm.s32 @!p2 $0x0  }
0x16: {  	s3 =	sld [smem:$0x3FDB];
	s0 =	simm.s32 @p2 $0x1  }
0x17: {  	s4 =	simm.s32 $0x1BF5;
	[smem:$0x3FBB] =	sst s0  }
0x18: {  	s0 =	sld [smem:$0x3F9E];
	_ =	swait.ge [sflag:s4], $0x0  }
0x19: {  	s7 =	sld [smem:$0x3F9F]  }
0x1a: {  	s8 =	sadd.s32 $0xFFFFE003, lr  }
0x1b: {  	s9 =	sadd.s32 $0xFFFFFEF7, lr;
	s5 =	simm.s32 $0xFFFFFFFF;
	p2 =	slt.u32 s8, $0xFFFFF086  }
0x1c: {  	p1 =	slt.u32 s9, $0xF7A;
	s5 =	simm.s32 @!p2 $0x0  }
0x1d: {  	s5 =	simm.s32 @p1 $0x1;
	p0 =	seq.s32 s7, s2  }
0x1e: {  	s7 =	smul.u32 @!p0 $0xF7A, s2;
	p2 =	seq.s32 @!p0 s5, $0x0  }
0x1f: {  	s9 =	smul.u32 $0xF7A, s1;
	s8 =	simm.s32 @!p0 $0x1BF5;
	p2 =	por !p2, p0  }
0x20: {  	[sflag:s8] =	ssyncset.s32 @!p0 $0xFFFFF086;
	s6 =	sadd.s32 @!p0 s3, s7;
	s7 =	simm.s32 @!p0 $0x108  }
0x21: {  	s3 =	sadd.s32 s3, s9;
	s6 =	sadd.s32 @!p0 $0x88, s6;
	s7 =	simm.s32 @p2 $0x1082  }
0x22: {  	[simem:s7], [sflag:s8] =	dma.local @!p0 [hbm:s6], $0xF7A  }
0x23: {  	s9 =	sor.u32 $0xD0000000, s2;
	s6 =	simm.s32 $0x108;
	_ =	swait.ge @!p0 [sflag:s8], $0x0  }
0x24: {  	s3 =	sadd.s32 $0x88, s3;
	s6 =	simm.s32 @!p1 $0x1082;
	[sflag:s4] =	ssyncset.s32 $0xFFFFF086  }
0x25: {  	[simem:s6], [sflag:s4] =	dma.local [hbm:s3], $0xF7A  }
0x26: {  	[smem:$0x3F9F] =	sst s1;
	(tag) =	ssettag s2;
	_ =	strace s9  }
0x27: {  	s1 =	sld [smem:$0x3FAF]  }
0x28: {  	s2 =	sld [smem:$0x3FB0]  }
0x29: {  	s4 =	sld [smem:$0x3FB2]  }
0x2a: {  	p0 =	seq.s32 s5, $0x0;
	s5 =	sld [smem:$0x3FB3]  }
0x2b: {  	s6 =	sld [smem:$0x3FB4]  }
0x2c: {  	s7 =	sld [smem:$0x3FB5]  }
0x2d: {  	s3 =	simm.s32 $0x108;
	s8 =	sld [smem:$0x3FB6]  }
0x2e: {  	s3 =	simm.s32 @!p0 $0x1082;
	s9 =	sld [smem:$0x3FB7]  }
0x2f: {  	lr =	sadd.s32 s0, s3;
	s0 =	sld [smem:$0x3FAE]  }
0x30: {  	s3 =	sld [smem:$0x3FB1]  }
0x31: {  	[smem:$0x3FBA] =	sst s10  }
0x32: {  	s10 =	sld [smem:$0x3FB8];
	_ =	sdelay $0x3  }
0x33: {  	p0 =	seq.s32 s10, $0x1;
	s10 =	sld [smem:$0x3FBA];
	_ =	sdelay $0x3  }
0x34: {  	[smem:$0x3FBA] =	sst s10  }
0x35: {  	s10 =	sld [smem:$0x3FB9];
	_ =	sdelay $0x3  }
0x36: {  	p1 =	seq.s32 s10, $0x1;
	s10 =	sld [smem:$0x3FBA];
	_ =	sdelay $0x3  }
0x37: {  	[smem:$0x3FBA] =	sst s10  }
0x38: {  	s10 =	sld [smem:$0x3FBB]  }
0x39: {  	_ = 	snop;
	(pc) =	sbr.ind lr, $3  }
0x3a: {  	_ = 	snop  }
0x3b: {  	_ = 	snop  }
0x3c: {  	p2 =	seq.s32 s10, $0x1;
	s10 =	sld [smem:$0x3FBA]  }
0x3d: {  	_ =	shalt  }
0x3e: {  	_ =	shalt  }
0x3f: {  	_ =	shalt  }
0x40: {  	_ =	shalt  }
0x41: {  	_ =	shalt  }
0x42: {  	_ =	shalt  }
0x43: {  	_ =	shalt  }
0x44: {  	_ =	shalt  }
0x45: {  	_ =	shalt  }
0x46: {  	_ =	shalt  }
0x47: {  	_ =	shalt  }
0x48: {  	_ =	shalt  }
0x49: {  	_ =	shalt  }
0x4a: {  	_ =	shalt  }
0x4b: {  	_ =	shalt  }
0x4c: {  	_ =	shalt  }
0x4d: {  	_ =	shalt  }
0x4e: {  	_ =	shalt  }
0x4f: {  	_ =	shalt  }
0x50: {  	_ =	shalt  }
0x51: {  	_ =	shalt  }
0x52: {  	_ =	shalt  }
0x53: {  	_ =	shalt  }
0x54: {  	_ =	shalt  }
0x55: {  	_ =	shalt  }
0x56: {  	_ =	shalt  }
0x57: {  	_ =	shalt  }
0x58: {  	_ =	shalt  }
0x59: {  	_ =	shalt  }
0x5a: {  	_ =	shalt  }
0x5b: {  	_ =	shalt  }
0x5c: {  	_ =	shalt  }
0x5d: {  	_ =	shalt  }
0x5e: {  	_ =	shalt  }
0x5f: {  	_ =	shalt  }
0x60: {  	_ =	shalt  }
0x61: {  	_ =	shalt  }
0x62: {  	_ =	shalt  }
0x63: {  	_ =	shalt  }
0x64: {  	_ =	shalt  }
0x65: {  	_ =	shalt  }
0x66: {  	_ =	shalt  }
0x67: {  	_ =	shalt  }
0x68: {  	_ =	shalt  }
0x69: {  	_ =	shalt  }
0x6a: {  	_ =	shalt  }
0x6b: {  	_ =	shalt  }
0x6c: {  	_ =	shalt  }
0x6d: {  	_ =	shalt  }
0x6e: {  	_ =	shalt  }
0x6f: {  	_ =	shalt  }
0x70: {  	_ =	shalt  }
0x71: {  	_ =	shalt  }
0x72: {  	_ =	shalt  }
0x73: {  	_ =	shalt  }
0x74: {  	_ =	shalt  }
0x75: {  	_ =	shalt  }
0x76: {  	_ =	shalt  }
0x77: {  	_ =	shalt  }
0x78: {  	_ =	shalt  }
0x79: {  	_ =	shalt  }
0x7a: {  	_ =	shalt  }
0x7b: {  	_ =	shalt  }
0x7c: {  	_ =	shalt  }
0x7d: {  	_ =	shalt  }
0x7e: {  	_ =	shalt  }
0x7f: {  	_ =	shalt  }
0x80: {  	_ =	shalt  }
0x81: {  	_ =	shalt  }
0x82: {  	_ =	shalt  }
0x83: {  	_ =	shalt  }
0x84: {  	_ =	shalt  }
0x85: {  	_ =	shalt  }
0x86: {  	_ =	shalt  }
0x87: {  	_ =	shalt  }
.Lfunc_end0:
.L_simem_size_0:
called_computation_lowered:
.L_overlay_start_0:
0x88: {  	s2 =	sld [smem:$0x3FD9]  }
0x89: {  	s3 =	sld [smem:$0x3FFE];
	_ =	sdelay $0x1  }
0x8a: {  	s1 =	srdreg.scid  }
0x8b: {  	s0 =	sand.u32 $0x1, s1  }
0x8c: {  	s17 =	sshll.u32 s0, $0xA;
	s2 =	sadd.s32 s3, s2  }
0x8d: {  	s2 =	sadd.s32 s2, s17  }
0x8e: {  	[smem:$0x3FC6] =	sst s2  }
0x8f: {  	_ = 	snop  }
0x90: {  	s2 =	sld [smem:$0x3FC9]  }
0x91: {  	s18 =	sld [smem:$0x3FC8];
	(tm) =	ssettm $0x1  }
0x92: {  	s4 =	sld [smem:$0x3FFB];
	_ =	sdelay $0x3  }
0x93: {  	_ =	strace s4  }
0x94: {  	s4 =	sld [smem:$0x3FFC];
	_ =	sdelay $0x3  }
0x95: {  	_ =	strace s4  }
0x96: {  	s4 =	sld [smem:$0x3FFD];
	_ =	sdelay $0x3  }
0x97: {  	_ =	strace s4  }
0x98: {  	_ =	strace $0x8FFFFFFF  }
0x99: {  	s19 =	sld [smem:$0x3FDB];
	_ =	sdelay $0x1  }
0x9a: {  	s5 =	simm.s32 $_scs_section_size  }
0x9b: {  	s6 =	simm.s32 $_size__tile_overlayer_lowered;
	s7 =	simm.s32 $_tile_overlayer_lowered  }
0x9c: {  	s22 =	simm.s32 $0x1BFF;
	s21 =	sshll.u32 s7, $0x1;
	s4 =	sadd.s32 s5, s19  }
0x9d: {  	s8 =	simm.s32 $0x0;
	s20 =	sshll.u32 s6, $0x1;
	s6 =	sadd.s32 s21, s4  }
0x9e: {  	[timem:s8], [sflag:s22] =	dma.local [hbm:s6], s20  }
0x9f: {  	_ =	swait.ge [sflag:s22], s20  }
0xa0: {  	s5 =	ssub.s32 $0x0, s20;
	[sflag:s22] =	ssyncset.done $0x0  }
0xa1: {  	[sflag:s22] =	ssyncadd.s32 s5;
	_ =	sdelay $0x1  }
0xa2: {  	s23 =	simm.s32 $0x1B8B  }
0xa3: {  	_ =	swait.ge [sflag:s23], $0x1  }
0xa4: {  	[sflag:s23] =	ssyncset.done $0x0  }
0xa5: {  	s25 =	simm.s32 $0x1B8E;
	s24 =	sld [smem:$0x3FFE];
	[sflag:s23] =	ssyncadd.s32 $0xFFFFFFFF  }
0xa6: {  	s26 =	simm.s32 $execute0_lowered;
	[smem:$0x3FD2] =	sst s25  }
0xa7: {  	s6 =	sshll.u32 s26, $0x1;
	_ =	strace $0x80000046;
	[dreg:$0x1] =	wrdreg $0xFFFFFFFF  }
0xa8: {  	s28 =	simm.s32 $_size_execute0_lowered;
	s4 =	sadd.s32 s4, s6;
	[dreg:$0x0] =	wrdreg $0x0  }
0xa9: {  	s6 =	sshll.u32 s28, $0x1;
	[dreg:$0x2] =	wrdreg s4  }
0xaa: {  	[dreg:$0x3] =	wrdreg s6  }
0xab: {  	[dreg:$0x4] =	wrdreg $0xC0  }
0xac: {  	_ =	task [dreg:s8], $0x5FFFF  }
0xad: {  	[dreg:$0x1] =	wrdreg $0xFFFFFFFF  }
0xae: {  	[dreg:$0x0] =	wrdreg $0x60  }
0xaf: {  	[dreg:$0x2] =	wrdreg s2  }
0xb0: {  	[dreg:$0x3] =	wrdreg s18  }
0xb1: {  	[dreg:$0x4] =	wrdreg s24  }
0xb2: {  	[dreg:$0x5] =	wrdreg $0x9  }
0xb3: {  	_ =	task.clear_ibuf [dreg:s8], $0x6FFFF;
	_ =	strace $0x90000046  }
0xb4: {  	s29 =	simm.s32 $0x9;
	_ =	strace $0x80000048  }
0xb5: {  	_ =	swait.ge [sflag:s29], $0x1  }
0xb6: {  	[sflag:s29] =	ssyncadd.s32 $0xFFFFFFFF  }
0xb7: {  	_ =	strace $0x90000048  }
0xb8: {  	_ =	sfence  }
0xb9: {  	s30 =	sld [smem:$0x0];
	_ =	sdelay $0x2  }
0xba: {  	s31 =	sshll.u32 s1, $0xD;
	s1 =	sshrl.u32 s1, $0x2  }
0xbb: {  	s3 =	sand.u32 $0x4000, s31;
	s1 =	sadd.s32 s1, s30  }
0xbc: {  	s0 =	sor.u32 s3, s0;
	s1 =	sshll.u32 s1, $0x11  }
0xbd: {  	s0 =	sor.u32 s1, s0  }
0xbe: {  	s0 =	sadd.s32 $0x8F2B, s0  }
0xbf: {  	[sflag:s0] =	ssyncadd.remote.s32 $0x1  }
0xc0: {  	_ =	sfence.sel $0xFFFF  }
0xc1: {  	[dreg:$0x0] =	wrdreg $0xFFFFFFFF;
	(pc) =	sbr.abs _section_cstart, $3  }
0xc2: {  	[dreg:$0x1] =	wrdreg $0xFFFFFFFF  }
0xc3: {  	_ =	task.clear_ibuf [dreg:s8], $0x2FFFF;
	_ =	strace $0x9FFFFFFF  }
0xc4: {  	(tm) =	ssettm $0x7FFFFFFF  }
0xc5: {  	_ =	shalt  }
tec
execute0_lowered:
.L_overlay_start_1:
0x0: {  	(tag) =	ssettag $0x1  }
0x1: {  	s4 =	rddreg [dreg:$0x0]  }
0x2: {  	s0 =	srdreg.scid;
	s5 =	rddreg [dreg:$0x1]  }
0x3: {  	s6 =	rddreg [dreg:$0x2];
	s1 =	stileid.u32;
	s9 =	simm.s32 $0x1  }
0x4: {  	s12 =	simm.s32 $0x3;
	s13 =	simm.s32 $0x0;
	s3 =	sand.u32 $0x1, s0  }
0x5: {  	s0 =	rddreg [dreg:$0x3];
	s8 =	sand.u32 $0x7, s1;
	s2 =	sshll.u32 s3, $0x4  }
0x6: {  	s31 =	sshll.u32 s1, $0x4;
	p1 =	sne.s32 s8, $0x0;
	s7 =	sor.u32 s1, s2  }
0x7: {  	s3 =	ssub.s32 $0x2, s3;
	s2 =	simm.s32 $0x0;
	p0 =	seq.s32 s7, $0x0  }
0x8: {  	s10 =	sshrl.u32 s3, $0x1;
	[smem:$0x7FF] =	sst s2;
	p0 =	por !p1, !p0  }
0x9: {  	s11 =	sshrl.u32 s7, $0x3;
	s10 =	ssub.s32 s3, s10;
	p0 =	por !p0, !p0  }
0xa: {  	s3 =	simm.s32 $0x1;
	s7 =	sshll.u32 s7, $0x4;
	s9 =	simm.s32 @!p0 $0x0  }
0xb: {  	_ =	strace $0x80000047;
	s9 =	ssub.s32 s11, s9;
	s11 =	sand.u32 $0x70, s31  }
0xc: {  	s7 =	sand.u32 $0x180, s7;
	s9 =	sshll.u32 s9, $0x7;
	s11 =	sadd.s32 s6, s11  }
0xd: {  	s6 =	sshll.u32 s8, $0x7;
	s8 =	smax.u32 s10, $0x1;
	s10 =	simm.s32 $0x2  }
0xe: {  	s9 =	sand.u32 $0x1FFFFF80, s9;
	s7 =	sadd.s32 s7, s11;
	s11 =	simm.s32 $0xC80  }
0xf: {  	s4 =	sadd.s32 s4, s9;
	s5 =	sadd.s32 s5, s9;
	s9 =	simm.s32 $0x400  }
.LBB2_1:
0x10: {  	[tilespmem:s2], [sflag:$0x1] =	stream.linear.gather [hbm4b:s4+s2], $0x400, $0x38;
	[tilespmem:$0xD00] =	vst v63  }
0x11: {  	_ = 	snop  }
0x12: {  	[tilespmem:s9], [sflag:$0x2] =	stream.linear.gather [hbm4b:s5+s2], $0x400, $0x38;
	[tilespmem:$0xD00] =	vst v63  }
0x13: {  	_ =	swait.ge [sflag:s3], $0x400  }
0x14: {  	[sflag:s3] =	ssyncset.done $0x0  }
0x15: {  	[sflag:s3] =	ssyncadd.s32 $0xFFFFFC00  }
0x16: {  	_ =	swait.ge [sflag:s10], $0x400  }
0x17: {  	[sflag:s10] =	ssyncset.done $0x0  }
0x18: {  	s14 =	simm.s32 $0x0;
	[sflag:s10] =	ssyncadd.s32 $0xFFFFFC00  }
0x19: {  	v0 =	vld [tilespmem:s14+$0x0]  }
0x1a: {  	s15 =	simm.s32 $0x40;
	v1 =	vld [tilespmem:s14+$0x400]  }
.LBB2_2:
0x1b: {  	_ = 	snop  }
0x1c: {  	p0 =	sne.s32 s15, $0xFC0  }
.Ltmp0:
0x1d: {  	_ = 	snop;
	(pc) =	sbr.rel @p0 .LBB2_2-.Ltmp0, $4  }
0x1e: {  	v2 =	vadd.f32 $1.000000000e+00, v0  }
0x1f: {  	s16 =	sshra.s32 s15, $0x2;
	vm0 =	veq.s32 v1, $0x0  }
0x20: {  	v0 =	vld [tilespmem:s16+$0x0];
	v2 =	vnsel vm0, $0xFF61B1E6, v2  }
0x21: {  	s15 =	sadd.s32 $0x40, s15;
	v1 =	vld [tilespmem:s16+$0x400];
	[tilespmem:s14+$0x800] =	vst v2;
	s14 =	smov.u32 s16  }
0x22: {  	_ =	sdelay $0x2  }
0x23: {  	v0 =	vadd.f32 $1.000000000e+00, v0  }
0x24: {  	vm0 =	veq.s32 v1, $0x0  }
0x25: {  	v0 =	vnsel vm0, $0xFF61B1E6, v0  }
0x26: {  	[tilespmem:s14+$0x800] =	vst v0  }
0x27: {  	v0 =	vld [tilespmem:$0x800];
	_ =	sdelay $0x4  }
0x28: {  	p1 =	por $0x1, $0x1;
	v2 =	vimm.f32 $0.0e+00;
	s14 =	simm.s32 $0x0;
	[tilespmem:$0xC00] =	vst v0;
	v0 =	vimm.f32 $0.0e+00  }
.LBB2_4:
0x29: {  	s15 =	sor.u32 s6, s14  }
0x2a: {  	v7 =	vld [tilespmem:s15+$0x0]  }
0x2b: {  	v3 =	vld [tilespmem:s15+$0x400]  }
0x2c: {  	v55 =	vld [tilespmem:s15+$0x410]  }
0x2d: {  	v1 =	vld [tilespmem:s15+$0x420]  }
0x2e: {  	s31 =	simm.s32 $0x0;
	v56 =	vld [tilespmem:s15+$0x430]  }
0x2f: {  	v12 =	vld [tilespmem:s31+$0x800]  }
0x30: {  	s14 =	sor.u32 $0x10, s15;
	v13 =	vld [tilespmem:s31+$0x801]  }
0x31: {  	s30 =	sor.u32 $0x30, s15;
	v8 =	vld [tilespmem:s14+$0x0]  }
0x32: {  	s15 =	sor.u32 $0x20, s15;
	v10 =	vld [tilespmem:s30+$0x0]  }
0x33: {  	v14 =	vld [tilespmem:s15+$0x0]  }
0x34: {  	v16 =	vld [tilespmem:s31+$0x802]  }
0x35: {  	v18 =	vld [tilespmem:s31+$0x803];
	vm0 =	veq.s32 v55, $0x0;
	vm14 =	veq.s32 v3, $0x0  }
0x36: {  	vm1 =	veq.s32 v56, $0x0;
	vm15 =	veq.s32 v1, $0x0;
	v11 =	vsel vm0, $0x7F61B1E6, v8  }
0x37: {  	v8 =	vsel vm14, $0x7F61B1E6, v7;
	v7 =	vsel vm1, $0x7F61B1E6, v10;
	v17 =	vsub.f32 v12, v11  }
0x38: {  	v10 =	vsel vm15, $0x7F61B1E6, v14;
	v19 =	vsub.f32 v13, v11;
	v14 =	vsub.f32 v12, v7  }
0x39: {  	v57 =	vimm.f32 $0.0e+00;
	v20 =	vsub.f32 v12, v10;
	v21 =	vsub.f32 v16, v11  }
0x3a: {  	v22 =	vsub.f32 v13, v7;
	v23 =	vsub.f32 v18, v11;
	v17 =	vmax.f32 v17, $0.0e+00  }
0x3b: {  	v24 =	vsub.f32 v16, v7;
	v17 =	vadd.f32 v17, v57  }
0x3c: {  	v12 =	vsub.f32 v12, v8;
	v19 =	vmax.f32 v19, $0.0e+00;
	v14 =	vmax.f32 v14, $0.0e+00  }
0x3d: {  	v14 =	vadd.f32 v14, v57;
	v17 =	vadd.f32 v19, v17  }
0x3e: {  	v21 =	vmax.f32 v21, $0.0e+00;
	v22 =	vmax.f32 v22, $0.0e+00;
	v20 =	vmax.f32 v20, $0.0e+00;
	v19 =	vld [tilespmem:s31+$0x804]  }
0x3f: {  	v12 =	vmax.f32 v12, $0.0e+00;
	v14 =	vadd.f32 v22, v14;
	v22 =	vld [tilespmem:s31+$0x805];
	v17 =	vadd.f32 v21, v17  }
0x40: {  	v23 =	vmax.f32 v23, $0.0e+00;
	v20 =	vadd.f32 v20, v57;
	v12 =	vadd.f32 v12, v57  }
0x41: {  	v21 =	vsub.f32 v18, v7;
	v17 =	vadd.f32 v23, v17  }
0x42: {  	v24 =	vmax.f32 v24, $0.0e+00;
	v23 =	vsub.f32 v13, v10;
	v13 =	vsub.f32 v13, v8  }
0x43: {  	v14 =	vadd.f32 v24, v14;
	v58 =	vsub.f32 v19, v11  }
0x44: {  	v21 =	vmax.f32 v21, $0.0e+00;
	v59 =	vsub.f32 v22, v11;
	v13 =	vmax.f32 v13, $0.0e+00  }
0x45: {  	v24 =	vmax.f32 v58, $0.0e+00;
	v12 =	vadd.f32 v13, v12;
	v13 =	vsub.f32 v16, v8  }
0x46: {  	v61 =	vld [tilespmem:s31+$0x808];
	v23 =	vmax.f32 v23, $0.0e+00;
	v16 =	vsub.f32 v16, v10;
	v17 =	vadd.f32 v24, v17  }
0x47: {  	v14 =	vadd.f32 v21, v14;
	v20 =	vadd.f32 v23, v20;
	v23 =	vld [tilespmem:s31+$0x806];
	v24 =	vmax.f32 v59, $0.0e+00  }
0x48: {  	v60 =	vsub.f32 v19, v7;
	v16 =	vmax.f32 v16, $0.0e+00;
	v17 =	vadd.f32 v24, v17  }
0x49: {  	v21 =	vld [tilespmem:s31+$0x807];
	v13 =	vmax.f32 v13, $0.0e+00;
	v16 =	vadd.f32 v16, v20;
	v20 =	vsub.f32 v18, v8  }
0x4a: {  	v12 =	vadd.f32 v13, v12;
	v24 =	vmax.f32 v60, $0.0e+00;
	v18 =	vsub.f32 v18, v10  }
0x4b: {  	v14 =	vadd.f32 v24, v14;
	v24 =	vsub.f32 v61, v10;
	v20 =	vmax.f32 v20, $0.0e+00  }
0x4c: {  	v13 =	vsub.f32 v23, v11;
	v18 =	vmax.f32 v18, $0.0e+00;
	v12 =	vadd.f32 v20, v12  }
0x4d: {  	v16 =	vadd.f32 v18, v16;
	v18 =	vsub.f32 v19, v8  }
0x4e: {  	v20 =	vsub.f32 v21, v11;
	v19 =	vsub.f32 v19, v10;
	v13 =	vmax.f32 v13, $0.0e+00  }
0x4f: {  	v13 =	vadd.f32 v13, v17;
	v17 =	vsub.f32 v22, v7;
	v18 =	vmax.f32 v18, $0.0e+00  }
0x50: {  	v19 =	vmax.f32 v19, $0.0e+00;
	v12 =	vadd.f32 v18, v12;
	v18 =	vsub.f32 v61, v11  }
0x51: {  	v20 =	vmax.f32 v20, $0.0e+00;
	v16 =	vadd.f32 v19, v16;
	v19 =	vsub.f32 v22, v8  }
0x52: {  	v22 =	vsub.f32 v22, v10;
	v13 =	vadd.f32 v20, v13  }
0x53: {  	v17 =	vmax.f32 v17, $0.0e+00;
	v20 =	vsub.f32 v23, v7;
	v18 =	vmax.f32 v18, $0.0e+00  }
0x54: {  	v14 =	vadd.f32 v17, v14;
	v17 =	vld [tilespmem:s31+$0x809];
	v22 =	vmax.f32 v22, $0.0e+00;
	v13 =	vadd.f32 v18, v13  }
0x55: {  	v20 =	vmax.f32 v20, $0.0e+00;
	v18 =	vsub.f32 v21, v7;
	v16 =	vadd.f32 v22, v16  }
0x56: {  	v19 =	vmax.f32 v19, $0.0e+00;
	v22 =	vsub.f32 v23, v8;
	v14 =	vadd.f32 v20, v14  }
0x57: {  	v19 =	vadd.f32 v19, v12;
	v23 =	vsub.f32 v23, v10;
	v20 =	vld [tilespmem:s31+$0x80A];
	v18 =	vmax.f32 v18, $0.0e+00  }
0x58: {  	v22 =	vmax.f32 v22, $0.0e+00;
	v14 =	vadd.f32 v18, v14;
	v18 =	vsub.f32 v61, v7  }
0x59: {  	v23 =	vmax.f32 v23, $0.0e+00;
	v19 =	vadd.f32 v22, v19;
	v12 =	vsub.f32 v17, v11  }
0x5a: {  	v16 =	vadd.f32 v23, v16;
	v23 =	vsub.f32 v21, v8  }
0x5b: {  	v9 =	vld [tilespmem:s31+$0x80D];
	v21 =	vsub.f32 v21, v10;
	v18 =	vmax.f32 v18, $0.0e+00;
	v12 =	vmax.f32 v12, $0.0e+00  }
0x5c: {  	v23 =	vmax.f32 v23, $0.0e+00;
	v22 =	vsub.f32 v20, v11;
	v13 =	vadd.f32 v12, v13;
	v12 =	vld [tilespmem:s31+$0x80B]  }
0x5d: {  	v21 =	vmax.f32 v21, $0.0e+00;
	v14 =	vadd.f32 v18, v14;
	v19 =	vadd.f32 v23, v19  }
0x5e: {  	v18 =	vld [tilespmem:s31+$0x80C];
	v23 =	vsub.f32 v61, v8;
	v16 =	vadd.f32 v21, v16;
	v22 =	vmax.f32 v22, $0.0e+00  }
0x5f: {  	v24 =	vmax.f32 v24, $0.0e+00;
	v13 =	vadd.f32 v22, v13;
	v22 =	vsub.f32 v17, v7  }
0x60: {  	v15 =	vsub.f32 v9, v11;
	v23 =	vmax.f32 v23, $0.0e+00;
	v16 =	vadd.f32 v24, v16  }
0x61: {  	v19 =	vadd.f32 v23, v19;
	v22 =	vmax.f32 v22, $0.0e+00;
	v21 =	vsub.f32 v12, v11  }
0x62: {  	v14 =	vadd.f32 v22, v14;
	v22 =	vsub.f32 v20, v7  }
0x63: {  	v23 =	vsub.f32 v18, v11;
	v25 =	vsub.f32 v18, v8;
	v21 =	vmax.f32 v21, $0.0e+00  }
0x64: {  	v62 =	vsub.f32 v12, v7;
	v22 =	vmax.f32 v22, $0.0e+00;
	v13 =	vadd.f32 v21, v13  }
0x65: {  	v21 =	vsub.f32 v17, v10;
	v22 =	vadd.f32 v22, v14;
	v14 =	vld [tilespmem:s31+$0x80E]  }
0x66: {  	v23 =	vmax.f32 v23, $0.0e+00;
	v24 =	vmax.f32 v62, $0.0e+00;
	v17 =	vsub.f32 v17, v8  }
0x67: {  	v21 =	vmax.f32 v21, $0.0e+00;
	v23 =	vadd.f32 v23, v13;
	v22 =	vadd.f32 v24, v22  }
0x68: {  	v15 =	vmax.f32 v15, $0.0e+00;
	v16 =	vadd.f32 v21, v16;
	v21 =	vsub.f32 v18, v7  }
0x69: {  	v13 =	vld [tilespmem:s31+$0x80F];
	v17 =	vmax.f32 v17, $0.0e+00;
	v15 =	vadd.f32 v15, v23;
	v23 =	vsub.f32 v20, v10  }
0x6a: {  	v17 =	vadd.f32 v17, v19;
	v19 =	vsub.f32 v14, v11  }
0x6b: {  	v18 =	vsub.f32 v18, v10;
	v20 =	vsub.f32 v20, v8;
	v23 =	vmax.f32 v23, $0.0e+00  }
0x6c: {  	[tilespmem:$0x1FFA0] =	vst v0;
	v16 =	vadd.f32 v23, v16;
	v23 =	vsub.f32 v12, v10;
	v19 =	vmax.f32 v19, $0.0e+00  }
0x6d: {  	[tilespmem:$0x1FFB0] =	vst v2;
	v21 =	vmax.f32 v21, $0.0e+00;
	v63 =	vadd.f32 v19, v15;
	v15 =	vsub.f32 v9, v7  }
0x6e: {  	[tilespmem:$0x1FFC0] =	vst v55;
	v21 =	vadd.f32 v21, v22;
	v22 =	vsub.f32 v13, v11;
	v19 =	vmax.f32 v20, $0.0e+00  }
0x6f: {  	[tilespmem:$0x1FFD0] =	vst v3;
	v17 =	vadd.f32 v19, v17;
	v20 =	vmax.f32 v23, $0.0e+00;
	v15 =	vmax.f32 v15, $0.0e+00  }
0x70: {  	[tilespmem:$0x1FFE0] =	vst v56;
	v19 =	vadd.f32 v15, v21;
	v15 =	vadd.f32 v20, v16;
	v16 =	vmax.f32 v22, $0.0e+00  }
0x71: {  	p0 =	por p1, p1;
	s14 =	simm.s32 $0x40;
	[tilespmem:$0x1FFF0] =	vst v1;
	v28 =	vmax.f32 v25, $0.0e+00;
	v31 =	vmax.f32 v18, $0.0e+00;
	v20 =	vadd.f32 v16, v63  }
.LBB2_5:
0x72: {  	s15 =	sshra.s32 s14, $0x2;
	p1 =	sne.s32 s14, $0xFC0;
	s14 =	sadd.s32 $0x40, s14;
	v16 =	vsub.f32 v12, v8;
	v12 =	vsub.f32 v9, v10  }
0x73: {  	v18 =	vsub.f32 v14, v10;
	v26 =	vld [tilespmem:s15+$0x803];
	v15 =	vadd.f32 v31, v15  }
0x74: {  	v22 =	vsub.f32 v14, v7;
	v23 =	vsub.f32 v13, v10;
	v21 =	vld [tilespmem:s15+$0x80F];
	v12 =	vmax.f32 v12, $0.0e+00  }
0x75: {  	v25 =	vsub.f32 v9, v8;
	v24 =	vld [tilespmem:s15+$0x80E];
	v15 =	vadd.f32 v12, v15  }
0x76: {  	v27 =	vsub.f32 v14, v8;
	v29 =	vsub.f32 v13, v7;
	v14 =	vmax.f32 v18, $0.0e+00;
	v9 =	vld [tilespmem:s15+$0x80D]  }
0x77: {  	v30 =	vsub.f32 v13, v8;
	v18 =	vmax.f32 v16, $0.0e+00;
	v12 =	vld [tilespmem:s15+$0x80B];
	v1 =	vadd.f32 v14, v15  }
0x78: {  	v0 =	vmax.f32 v23, $0.0e+00;
	v18 =	vadd.f32 v18, v17;
	v16 =	vld [tilespmem:s15+$0x80A]  }
0x79: {  	v31 =	vld [tilespmem:s15+$0x800];
	v15 =	vsub.f32 v21, v11;
	v32 =	vadd.f32 v0, v1;
	v13 =	vmov v21  }
0x7a: {  	v22 =	vmax.f32 v22, $0.0e+00;
	v21 =	vadd.f32 v28, v18;
	v33 =	vld [tilespmem:s15+$0x807];
	v17 =	vsub.f32 v24, v11;
	v14 =	vmovc v24  }
0x7b: {  	v24 =	vmax.f32 v25, $0.0e+00;
	v25 =	vadd.f32 v22, v19;
	v28 =	vld [tilespmem:s15+$0x802];
	v18 =	vsub.f32 v9, v11  }
0x7c: {  	v24 =	vadd.f32 v24, v21;
	v34 =	vld [tilespmem:s15+$0x801];
	v23 =	vsub.f32 v12, v10  }
0x7d: {  	v27 =	vmax.f32 v27, $0.0e+00;
	v21 =	vsub.f32 v9, v7;
	v19 =	vld [tilespmem:s15+$0x809];
	v22 =	vsub.f32 v16, v10  }
0x7e: {  	v36 =	vsub.f32 v16, v7;
	v24 =	vadd.f32 v27, v24;
	v27 =	vmax.f32 v29, $0.0e+00;
	v35 =	vld [tilespmem:s15+$0x808]  }
0x7f: {  	v30 =	vmax.f32 v30, $0.0e+00;
	v29 =	vsub.f32 v31, v10;
	v38 =	vadd.f32 v27, v25;
	v37 =	vld [tilespmem:s15+$0x805]  }
0x80: {  	v25 =	vsub.f32 v26, v7;
	v40 =	vadd.f32 v30, v24;
	v39 =	vld [tilespmem:s15+$0x806]  }
0x81: {  	v42 =	vsub.f32 v26, v8;
	v24 =	vsub.f32 v12, v7;
	v41 =	vmax.f32 v29, $0.0e+00;
	v43 =	vld [tilespmem:s15+$0x804]  }
0x82: {  	v30 =	vsub.f32 v26, v11;
	v44 =	vsub.f32 v28, v10;
	v45 =	vmax.f32 v25, $0.0e+00  }
0x83: {  	v29 =	vsub.f32 v33, v7;
	v46 =	vsub.f32 v35, v7;
	v27 =	vld [tilespmem:s15+$0x80C]  }
0x84: {  	v25 =	vsub.f32 v12, v11;
	v47 =	vsub.f32 v37, v7  }
0x85: {  	v48 =	vsub.f32 v28, v11;
	v49 =	vmax.f32 v30, $0.0e+00;
	v30 =	vsub.f32 v39, v7  }
0x86: {  	v51 =	vsub.f32 v19, v10;
	v50 =	vsub.f32 v39, v11;
	v47 =	vmax.f32 v47, $0.0e+00  }
0x87: {  	v52 =	vsub.f32 v28, v7;
	v53 =	vsub.f32 v37, v11  }
0x88: {  	v55 =	vsub.f32 v19, v11;
	v54 =	vmax.f32 v30, $0.0e+00;
	v56 =	vsub.f32 v27, v7  }
0x89: {  	v57 =	vsub.f32 v26, v10;
	v28 =	vsub.f32 v28, v8;
	v53 =	vmax.f32 v53, $0.0e+00  }
0x8a: {  	v58 =	vsub.f32 v37, v8;
	v30 =	vsub.f32 v19, v7;
	v26 =	vmax.f32 v56, $0.0e+00  }
0x8b: {  	v50 =	vmax.f32 v50, $0.0e+00;
	v56 =	vmax.f32 v57, $0.0e+00;
	v57 =	vsub.f32 v33, v10  }
0x8c: {  	v59 =	vsub.f32 v16, v11;
	v37 =	vsub.f32 v37, v10;
	v46 =	vmax.f32 v46, $0.0e+00  }
0x8d: {  	v60 =	vsub.f32 v33, v11;
	v61 =	vsub.f32 v35, v11  }
0x8e: {  	v36 =	vmax.f32 v36, $0.0e+00;
	v62 =	vsub.f32 v43, v11;
	v63 =	vsub.f32 v27, v8  }
0x8f: {  	v0 =	vsub.f32 v39, v10;
	v37 =	vmax.f32 v37, $0.0e+00;
	v33 =	vsub.f32 v33, v8  }
0x90: {  	v32 =	vadd.f32 v41, v32;
	v41 =	vsub.f32 v43, v7;
	v58 =	vmax.f32 v58, $0.0e+00  }
0x91: {  	v3 =	vsub.f32 v34, v11;
	v4 =	vsub.f32 v43, v8;
	v0 =	vmax.f32 v0, $0.0e+00  }
0x92: {  	v42 =	vmax.f32 v42, $0.0e+00;
	v5 =	vsub.f32 v34, v7;
	v39 =	vsub.f32 v39, v8  }
0x93: {  	v6 =	vsub.f32 v31, v11;
	v3 =	vmax.f32 v3, $0.0e+00;
	v43 =	vsub.f32 v43, v10  }
0x94: {  	v1 =	vsub.f32 v35, v8;
	v39 =	vmax.f32 v39, $0.0e+00;
	v4 =	vmax.f32 v4, $0.0e+00  }
0x95: {  	v2 =	vsub.f32 v31, v7;
	v6 =	vmax.f32 v6, $0.0e+00;
	v35 =	vsub.f32 v35, v10  }
0x96: {  	v6 =	vadd.f32 v6, v20;
	v20 =	vsub.f32 v34, v8;
	v1 =	vmax.f32 v1, $0.0e+00  }
0x97: {  	v2 =	vmax.f32 v2, $0.0e+00;
	v35 =	vmax.f32 v35, $0.0e+00;
	v43 =	vmax.f32 v43, $0.0e+00  }
0x98: {  	v31 =	vsub.f32 v31, v8;
	v3 =	vadd.f32 v3, v6;
	v6 =	vmax.f32 v44, $0.0e+00  }
0x99: {  	v2 =	vadd.f32 v2, v38;
	v34 =	vsub.f32 v34, v10;
	v38 =	vmax.f32 v48, $0.0e+00  }
0x9a: {  	v31 =	vmax.f32 v31, $0.0e+00;
	v5 =	vmax.f32 v5, $0.0e+00;
	v3 =	vadd.f32 v38, v3  }
0x9b: {  	v20 =	vmax.f32 v20, $0.0e+00;
	v34 =	vmax.f32 v34, $0.0e+00;
	v2 =	vadd.f32 v5, v2  }
0x9c: {  	v5 =	vadd.f32 v31, v40;
	v31 =	vmax.f32 v52, $0.0e+00;
	v3 =	vadd.f32 v49, v3  }
0x9d: {  	v38 =	vmax.f32 v28, $0.0e+00;
	v2 =	vadd.f32 v31, v2;
	v28 =	vmax.f32 v62, $0.0e+00  }
0x9e: {  	v31 =	vadd.f32 v34, v32;
	v32 =	vmax.f32 v41, $0.0e+00;
	v3 =	vadd.f32 v28, v3  }
0x9f: {  	v5 =	vadd.f32 v20, v5;
	v20 =	vsub.f32 v27, v10;
	v28 =	vmax.f32 v63, $0.0e+00  }
0xa0: {  	v34 =	vmax.f32 v59, $0.0e+00;
	v2 =	vadd.f32 v45, v2;
	v3 =	vadd.f32 v53, v3  }
0xa1: {  	v5 =	vadd.f32 v38, v5;
	v6 =	vadd.f32 v6, v31;
	v31 =	vmax.f32 v20, $0.0e+00  }
0xa2: {  	v2 =	vadd.f32 v32, v2;
	v20 =	vmax.f32 v57, $0.0e+00;
	v3 =	vadd.f32 v50, v3  }
0xa3: {  	v5 =	vadd.f32 v42, v5;
	v32 =	vmax.f32 v60, $0.0e+00;
	v6 =	vadd.f32 v56, v6  }
0xa4: {  	v2 =	vadd.f32 v47, v2;
	v3 =	vadd.f32 v32, v3;
	v32 =	vmax.f32 v51, $0.0e+00  }
0xa5: {  	v4 =	vadd.f32 v4, v5;
	v5 =	vadd.f32 v43, v6;
	v6 =	vmax.f32 v61, $0.0e+00  }
0xa6: {  	v29 =	vmax.f32 v29, $0.0e+00;
	v2 =	vadd.f32 v54, v2;
	v3 =	vadd.f32 v6, v3  }
0xa7: {  	v4 =	vadd.f32 v58, v4;
	v5 =	vadd.f32 v37, v5;
	v6 =	vmax.f32 v55, $0.0e+00  }
0xa8: {  	v33 =	vmax.f32 v33, $0.0e+00;
	v2 =	vadd.f32 v29, v2;
	v3 =	vadd.f32 v6, v3  }
0xa9: {  	v4 =	vadd.f32 v39, v4;
	v0 =	vadd.f32 v0, v5;
	v5 =	vmax.f32 v23, $0.0e+00  }
0xaa: {  	v2 =	vadd.f32 v46, v2;
	v6 =	vmax.f32 v22, $0.0e+00;
	v3 =	vadd.f32 v34, v3  }
0xab: {  	v23 =	vsub.f32 v27, v11;
	v4 =	vadd.f32 v33, v4;
	v22 =	vmax.f32 v30, $0.0e+00  }
0xac: {  	v0 =	vadd.f32 v20, v0;
	v20 =	vmax.f32 v25, $0.0e+00;
	v2 =	vadd.f32 v22, v2  }
0xad: {  	v1 =	vadd.f32 v1, v4;
	v4 =	vmax.f32 v23, $0.0e+00;
	v3 =	vadd.f32 v20, v3  }
0xae: {  	v0 =	vadd.f32 v35, v0;
	v2 =	vadd.f32 v36, v2;
	v20 =	vmax.f32 v21, $0.0e+00  }
0xaf: {  	v19 =	vsub.f32 v19, v8;
	v21 =	vmax.f32 v24, $0.0e+00;
	v3 =	vadd.f32 v4, v3  }
0xb0: {  	v0 =	vadd.f32 v32, v0;
	v2 =	vadd.f32 v21, v2;
	v4 =	vmax.f32 v18, $0.0e+00  }
.Ltmp1:
0xb1: {  	v16 =	vsub.f32 v16, v8;
	v18 =	vmax.f32 v19, $0.0e+00;
	v3 =	vadd.f32 v4, v3;
	(pc) =	sbr.rel @p1 .LBB2_5-.Ltmp1, $4  }
0xb2: {  	v1 =	vadd.f32 v18, v1;
	v2 =	vadd.f32 v26, v2;
	v4 =	vmax.f32 v17, $0.0e+00  }
0xb3: {  	v16 =	vmax.f32 v16, $0.0e+00;
	v0 =	vadd.f32 v6, v0;
	v3 =	vadd.f32 v4, v3  }
0xb4: {  	v17 =	vadd.f32 v16, v1;
	v19 =	vadd.f32 v20, v2;
	v1 =	vmax.f32 v15, $0.0e+00  }
0xb5: {  	v15 =	vadd.f32 v5, v0;
	v20 =	vadd.f32 v1, v3  }
0xb6: {  	v0 =	vsub.f32 v12, v8;
	_ =	sdelay $0x1  }
0xb7: {  	v0 =	vmax.f32 v0, $0.0e+00  }
0xb8: {  	v0 =	vadd.f32 v0, v17  }
0xb9: {  	v1 =	vsub.f32 v9, v8  }
0xba: {  	v2 =	vsub.f32 v9, v10;
	v58 =	vld [tilespmem:$0x1FFD0];
	v0 =	vadd.f32 v28, v0  }
0xbb: {  	v4 =	vsub.f32 v14, v8;
	v5 =	vsub.f32 v14, v10;
	v59 =	vld [tilespmem:$0x1FFB0];
	v1 =	vmax.f32 v1, $0.0e+00  }
0xbc: {  	v6 =	vsub.f32 v13, v8;
	v60 =	vld [tilespmem:$0x1FFC0];
	v0 =	vadd.f32 v1, v0  }
0xbd: {  	v55 =	vsub.f32 v13, v10;
	v61 =	vld [tilespmem:$0x1FFA0];
	v3 =	vadd.f32 v31, v15;
	v4 =	vmax.f32 v4, $0.0e+00  }
0xbe: {  	v57 =	vsub.f32 v13, v7;
	v62 =	vld [tilespmem:$0x1FFF0];
	v2 =	vmax.f32 v2, $0.0e+00;
	v0 =	vadd.f32 v4, v0  }
0xbf: {  	v56 =	vmax.f32 v6, $0.0e+00;
	v2 =	vadd.f32 v2, v3;
	v3 =	vmax.f32 v5, $0.0e+00  }
0xc0: {  	v1 =	vsub.f32 v14, v7;
	v4 =	vcvt.s32.f32 v58;
	v0 =	vadd.f32 v56, v0  }
0xc1: {  	v63 =	vld [tilespmem:$0x1FFE0];
	v2 =	vadd.f32 v3, v2;
	v3 =	vmax.f32 v55, $0.0e+00;
	v6 =	vcvt.s32.f32 v60  }
0xc2: {  	v1 =	vmax.f32 v1, $0.0e+00;
	v4 =	vadd.f32 v4, v59;
	v0 =	vadd.f32 v0, v61  }
0xc3: {  	v5 =	vcvt.s32.f32 v62;
	v2 =	vadd.f32 v3, v2;
	v1 =	vadd.f32 v1, v19  }
.Ltmp2:
0xc4: {  	v3 =	vmax.f32 v57, $0.0e+00;
	v4 =	vadd.f32 v6, v4;
	v0 =	vadd.f32 v20, v0;
	(pc) =	sbr.rel @p0 .LBB2_4-.Ltmp2, $3  }
0xc5: {  	v1 =	vadd.f32 v3, v1  }
0xc6: {  	v3 =	vadd.f32 v5, v4;
	v4 =	vcvt.s32.f32 v63;
	v0 =	vadd.f32 v2, v0;
	_ =	sdelay $0x1  }
0xc7: {  	s14 =	simm.s32 $0x40;
	p1 =	por $0x0, $0x0;
	v2 =	vadd.f32 v4, v3;
	v0 =	vadd.f32 v1, v0  }
0xc8: {  	s13 =	sadd.s32 $0x1, s13  }
0xc9: {  	[tilespmem:$0xC80] =	vst v0;
	p0 =	sne.s32 s13, s8  }
.Ltmp3:
0xca: {  	[tilespmem:$0xC90] =	vst v2;
	(pc) =	sbr.rel @p0 .LBB2_1-.Ltmp3, $4  }
0xcb: {  	[hbm4b:s7+s2] =	stream.linear.scatter [tilespmem:s11], [sflag:$0x3], $0x80, $0x38;
	[tilespmem:$0xD00] =	vst v63  }
0xcc: {  	_ =	swait.ge [sflag:s12], $0x80  }
0xcd: {  	[sflag:s12] =	ssyncset.done $0x0  }
0xce: {  	[sflag:s12] =	ssyncadd.s32 $0xFFFFFF80  }
0xcf: {  	_ =	sfence.sel $0x180000  }
0xd0: {  	[bflag:$0x0] =	sbarrier.arrive $0xFFFF  }
0xd1: {  	p0 =	sne.s32 s1, $0x0;
	_ =	strace $0x90000047  }
0xd2: {  	s0 =	sadd.s32 @!p0 $0x100000, s0;
	[bflag:$0x2] =	sbarrier.arrive $0xFFFF  }
0xd3: {  	[sflag:s0] =	ssyncadd.tile.s32 @!p0 $0x1;
	_ =	shalt  }
.Lfunc_end2:
_tile_overlayer_lowered:
.L_overlay_start_2:
0xd4: {  	(tag) =	ssettag $0x2  }
0xd5: {  	s0 =	rddreg [dreg:$0x0];
	s2 =	stileid.u32  }
0xd6: {  	s1 =	rddreg [dreg:$0x1];
	p0 =	sne.s32 s2, $0x0  }
0xd7: {  	s3 =	rddreg [dreg:$0x2];
	[bflag:$0x3] =	sbarrier.arrive $0xFFFF;
	s2 =	simm.s32 @!p0 $0x1C03  }
0xd8: {  	[timem:s3], [sflag:s2] =	dma.local @!p0 [hbm:s0], s1  }
0xd9: {  	s0 =	simm.s32 @!p0 $0x3  }
0xda: {  	_ =	swait.ge @!p0 [sflag:s0], s1  }
0xdb: {  	s1 =	ssub.s32 @!p0 $0x0, s1;
	[sflag:s0] =	ssyncset.done @!p0 $0x0  }
0xdc: {  	[sflag:s0] =	ssyncadd.s32 @!p0 s1  }
0xdd: {  	[bflag:$0x3] =	sbarrier.arrive $0xFFFF  }
0xde: {  	_ =	shalt  }

</sc_bundles>
